<compile_context>
chip_gen: v7x
topology: tpu7x:2x2x1
jax: 0.10.2.dev20260603
libtpu: 0.0.44.dev20260713+nightly
codegen_flags: <defaults>
</compile_context>

<pallas_src>
import math

import jax
import jax.numpy as jnp
from jax.experimental import pallas as pl
from jax.experimental.pallas import tpu as pltpu
from jax.experimental.pallas import tpu_sc as plsc

_S = 4096
_H = 1024
_NH = 16
_HD = 64
_T = 16
_DIL = 256
_TILE = 512
_NT = _S // _TILE
_SCALE = 1.0 / math.sqrt(_HD)
_EXP_CLAMP = 85.0


def _attn_weights(qk):
    chunks = [qk[_NH * t:_NH * (t + 1), :] for t in range(_T)]
    m_list = [chunks[0]]
    for t in range(1, _T):
        m_list.append(jnp.maximum(m_list[t - 1], chunks[t]))
    M = m_list[-1]
    E = [jnp.exp(chunks[t] - M) for t in range(_T)]
    C = [E[0]]
    for t in range(1, _T):
        C.append(C[t - 1] + E[t])
    l = [C[t] * jnp.exp(jnp.minimum(M - m_list[t], _EXP_CLAMP))
         for t in range(_T)]
    R = [None] * _T
    R[_T - 1] = 1.0 / l[_T - 1]
    for t in range(_T - 2, -1, -1):
        R[t] = R[t + 1] * l[t]
    return jnp.concatenate([E[t] * R[t] for t in range(_T)], axis=0)


def _body(hm_ref, x_tile_ref, x_any_ref, wq_ref, wk_ref, wv_ref, wo_ref,
          out_ref, xsel_ref, kb_ref, vo_ref, wqb_ref, sems):
    i = pl.program_id(0)

    @pl.when(i == 0)
    def _prologue():
        copies = []
        for t in range(_T):
            idx = hm_ref[_DIL * t]
            cp = pltpu.make_async_copy(
                x_any_ref.at[pl.ds(idx, 1), :],
                xsel_ref.at[pl.ds(t, 1), :],
                sems.at[t])
            cp.start()
            copies.append(cp)
        for cp in copies:
            cp.wait()
        xsel = xsel_ref[...]
        k_sel = jax.lax.dot_general(
            xsel, wk_ref[...], (((1,), (1,)), ((), ())),
            preferred_element_type=jnp.float32)
        v_sel = jax.lax.dot_general(
            xsel, wv_ref[...], (((1,), (1,)), ((), ())),
            preferred_element_type=jnp.float32)
        rsel = (jax.lax.broadcasted_iota(jnp.int32, (_T * _NH, _T), 0) // _NH
                == jax.lax.broadcasted_iota(jnp.int32, (_T * _NH, _T), 1)
                ).astype(jnp.float32)
        kb = jax.lax.dot_general(rsel, k_sel, (((1,), (0,)), ((), ())),
                                 preferred_element_type=jnp.float32)
        vb = jax.lax.dot_general(rsel, v_sel, (((1,), (0,)), ((), ())),
                                 preferred_element_type=jnp.float32)
        rr = jax.lax.broadcasted_iota(jnp.int32, (_T * _NH, _H), 0)
        cc = jax.lax.broadcasted_iota(jnp.int32, (_T * _NH, _H), 1)
        bmask = (rr % _NH) == (cc // _HD)
        kbv = jnp.where(bmask, kb * _SCALE, 0.0)
        vbv = jnp.where(bmask, vb, 0.0)
        kb_ref[...] = kbv.astype(jnp.bfloat16)
        vo = jax.lax.dot_general(vbv, wo_ref[...], (((1,), (1,)), ((), ())),
                                 precision=jax.lax.Precision.HIGHEST,
                                 preferred_element_type=jnp.float32)
        vo_ref[...] = vo
        wqb_ref[...] = wq_ref[...].astype(jnp.bfloat16)

    xb = x_tile_ref[...].astype(jnp.bfloat16)
    q = jax.lax.dot_general(
        xb, wqb_ref[...], (((1,), (1,)), ((), ())),
        preferred_element_type=jnp.float32)
    qk_t = jax.lax.dot_general(
        kb_ref[...], q, (((1,), (1,)), ((), ())),
        preferred_element_type=jnp.float32)
    wm_t = _attn_weights(qk_t)
    y = jax.lax.dot_general(
        wm_t, vo_ref[...], (((0,), (0,)), ((), ())),
        preferred_element_type=jnp.float32)
    out_ref[...] = y


def _build(interpret=False):
    grid_spec = pltpu.PrefetchScalarGridSpec(
        num_scalar_prefetch=1,
        grid=(_NT,),
        in_specs=[
            pl.BlockSpec((_TILE, _H), lambda i, hm: (i, 0)),
            pl.BlockSpec(memory_space=pl.ANY),
            pl.BlockSpec((_H, _H), lambda i, hm: (0, 0)),
            pl.BlockSpec((_H, _H), lambda i, hm: (0, 0)),
            pl.BlockSpec((_H, _H), lambda i, hm: (0, 0)),
            pl.BlockSpec((_H, _H), lambda i, hm: (0, 0)),
        ],
        out_specs=pl.BlockSpec((_TILE, _H), lambda i, hm: (i, 0)),
        scratch_shapes=[
            pltpu.VMEM((_T, _H), jnp.float32),
            pltpu.VMEM((_T * _NH, _H), jnp.bfloat16),
            pltpu.VMEM((_T * _NH, _H), jnp.float32),
            pltpu.VMEM((_H, _H), jnp.bfloat16),
            pltpu.SemaphoreType.DMA((_T,)),
        ],
    )
    return pl.pallas_call(
        _body,
        grid_spec=grid_spec,
        out_shape=jax.ShapeDtypeStruct((_S, _H), jnp.float32),
        interpret=interpret,
    )


_SC_WIN = 32


_SC_UNITS = 32
_SC_ROWS = _S // _SC_UNITS


def _sc_scatter(y2, hm2):

    @pl.kernel(out_type=jax.ShapeDtypeStruct((_S, _H), jnp.float32),
               mesh=plsc.VectorSubcoreMesh(core_axis_name="core",
                                           subcore_axis_name="subcore"),
               scratch_types=[
                   pltpu.VMEM((1, _S), jnp.int32),
                   pltpu.VMEM((2, _SC_WIN, _H), jnp.float32),
                   pltpu.SemaphoreType.DMA,
                   pltpu.SemaphoreType.DMA((2,)),
               ])
    def scatter_kernel(y_hbm, i_hbm, o_hbm, idx_vmem, buf, sem_i, sem_d):
        core = jax.lax.axis_index("core")
        sub = jax.lax.axis_index("subcore")
        base = (core * 16 + sub) * _SC_ROWS
        pltpu.async_copy(i_hbm, idx_vmem, sem_i).wait()
        n_win = _SC_ROWS // _SC_WIN
        cps = []
        for w in range(n_win):
            cp = pltpu.make_async_copy(
                y_hbm.at[pl.ds(base + w * _SC_WIN, _SC_WIN), :],
                buf.at[w % 2], sem_d.at[w % 2])
            cp.start()
            cps.append(cp)
            if w >= 1:
                cps[w - 1].wait()
                s = base + (w - 1) * _SC_WIN
                pltpu.sync_copy(
                    buf.at[(w - 1) % 2],
                    o_hbm.at[idx_vmem.at[0, pl.ds(s, _SC_WIN)]])
        cps[n_win - 1].wait()
        s = base + (n_win - 1) * _SC_WIN
        pltpu.sync_copy(
            buf.at[(n_win - 1) % 2],
            o_hbm.at[idx_vmem.at[0, pl.ds(s, _SC_WIN)]])

    return scatter_kernel(y2, hm2)


def kernel(x, W_qkv, W_out, hilbert_map):
    b, s, h = x.shape
    x2 = x.reshape(s, h)
    wq = W_qkv[:_H]
    wk = W_qkv[_H:2 * _H]
    wv = W_qkv[2 * _H:]
    hm = hilbert_map.astype(jnp.int32)
    y = _build()(hm, x2, x2, wq, wk, wv, W_out)
    out = _sc_scatter(y, hm.reshape(1, _S))
    return out.reshape(b, s, h)

# --- scband reference (transcript-rebuilt; emitter-appended) ---
"""Pipeline reference for scband-hilbert-dilated-attention-triton-58926951301485 (READ-ONLY COPY).

The authoritative reference and input builder live on the scoring server;
editing this copy changes nothing except your own understanding.
"""

import jax, jax.numpy as jnp
import numpy as np
import math

HIDDEN = 1024
NUM_HEADS = 16
SEG = 512
DIL = 256
B, S = 1, 4096


def _hilbert_map(seq_len):
    grid = 2 ** int(math.ceil(math.log2(math.sqrt(seq_len))))

    def curve(n):
        if n == 1:
            return [(0, 0)]
        m = n // 2
        sub = curve(m)
        pts = []
        for x, y in sub:
            pts.append((y, x))
        for x, y in sub:
            pts.append((x, y + m))
        for x, y in sub:
            pts.append((x + m, y + m))
        for x, y in sub:
            pts.append((m - 1 - y + m, m - 1 - x))
        return pts

    pts = curve(grid)
    lin2hil = np.zeros(seq_len, dtype=np.int32)
    for hidx, (x, y) in enumerate(pts[:seq_len]):
        lin = y * grid + x
        if lin < seq_len:
            lin2hil[lin] = hidx
    return lin2hil


def setup_inputs(seed: int = 0) -> dict:
    key = jax.random.key(seed)
    k1, k2, k3 = jax.random.split(key, 3)
    x = jax.random.normal(k1, (B, S, HIDDEN), dtype=jnp.float32)
    W_qkv = jax.random.normal(k2, (3 * HIDDEN, HIDDEN), dtype=jnp.float32) * 0.02
    W_out = jax.random.normal(k3, (HIDDEN, HIDDEN), dtype=jnp.float32) * 0.02
    hilbert_map = jnp.asarray(_hilbert_map(S))
    return {"x": x, "W_qkv": W_qkv, "W_out": W_out, "hilbert_map": hilbert_map}


def reference(x, W_qkv, W_out, hilbert_map):
    b, s, h = x.shape
    nh = NUM_HEADS
    hd = h // nh
    scale = 1.0 / math.sqrt(hd)

    qkv = x @ W_qkv.T
    qkv = qkv.reshape(b, s, 3, nh, hd).transpose(2, 0, 3, 1, 4)
    q, k, v = qkv[0], qkv[1], qkv[2]  # [b, nh, s, hd]

    # dilated key positions (hilbert kernel: all segments, no in-segment mask)
    pos = np.concatenate([seg0 + np.arange(0, SEG, DIL) for seg0 in range(0, s, SEG)])
    key_idx = hilbert_map[jnp.asarray(pos)]  # gather K/V at hilbert-mapped rows
    k_sel = k[:, :, key_idx, :]  # [b, nh, T, hd]
    v_sel = v[:, :, key_idx, :]

    qk = jnp.einsum('bhmd,bhtd->bhmt', q, k_sel) * scale  # [b, nh, s, T]

    # faithful replication of the kernel's streaming recurrence,
    # including acc_scale = l_i * alpha (non-standard vs flash attention)
    def step(carry, inp):
        m_i, l_i, acc = carry
        qk_t, v_t = inp  # [b,nh,s], [b,nh,hd]
        m_new = jnp.maximum(m_i, qk_t)
        p = jnp.exp(qk_t - m_new)
        alpha = jnp.exp(m_i - m_new)
        acc_scale = l_i * alpha
        acc = acc * acc_scale[..., None] + p[..., None] * v_t[:, :, None, :]
        l_i = l_i * alpha + p
        return (m_new, l_i, acc), None

    m0 = jnp.full((b, nh, s), -jnp.inf, dtype=jnp.float32)
    l0 = jnp.zeros((b, nh, s), dtype=jnp.float32)
    a0 = jnp.zeros((b, nh, s, hd), dtype=jnp.float32)
    (mT, lT, accT), _ = jax.lax.scan(
        step, (m0, l0, a0), (jnp.moveaxis(qk, 3, 0), jnp.moveaxis(v_sel, 2, 0)))
    out_m = accT / lT[..., None]  # [b, nh, s, hd]

    # kernel scatters output rows to query_hilbert positions (full permutation)
    out_h = jnp.zeros_like(out_m).at[:, :, hilbert_map, :].set(out_m)

    out = out_h.transpose(0, 2, 1, 3).reshape(b, s, h)
    return out @ W_out.T

if __name__ == "__main__":
    import jax
    _d = setup_inputs()
    print(jax.jit(kernel)(*tuple(_d.values())))

</pallas_src>

<mosaic_0001>
#map = affine_map<(d0, d1) -> (0, 0)>
module attributes {stable_mosaic.version = 14 : i64} {
  func.func @scatter_kernel(%arg0: i32, %arg1: i32, %arg2: memref<4096x1024xf32, #tpu.memory_space<hbm>>, %arg3: memref<1x4096xi32, #tpu.memory_space<hbm>>, %arg4: memref<4096x1024xf32, #tpu.memory_space<hbm>>, %arg5: memref<1x4096xi32, #tpu.memory_space<vmem>>, %arg6: memref<2x32x1024xf32, #tpu.memory_space<vmem>>, %arg7: memref<!tpu.dma_semaphore, #tpu.memory_space<semaphore_mem>>, %arg8: memref<2x!tpu.dma_semaphore, #tpu.memory_space<semaphore_mem>>) attributes {dimension_semantics = [#tpu.dimension_semantics<core_parallel>, #tpu.dimension_semantics<subcore_parallel>], iteration_bounds = array<i64: 2, 16>, scalar_prefetch = 0 : i64, scratch_operands = 4 : i64, tpu.core_type = #tpu.core_type<sc_vector_subcore>, window_params = [{transform_indices = #map}, {transform_indices = #map}, {transform_indices = #map}]} {
    %mul3A = arith.constant 16 : i32
    %mul3A_0 = arith.muli %arg0, %mul3A : i32
    %add3A = arith.addi %mul3A_0, %arg1 : i32
    %mul3A_1 = arith.constant 128 : i32
    %mul3A_2 = arith.muli %add3A, %mul3A_1 : i32
    tpu.enqueue_dma source(%arg3 : memref<1x4096xi32, #tpu.memory_space<hbm>>) target(%arg5 : memref<1x4096xi32, #tpu.memory_space<vmem>>) target_semaphore(%arg7 : memref<!tpu.dma_semaphore, #tpu.memory_space<semaphore_mem>>)
    tpu.wait_dma2 semaphore(%arg7 : memref<!tpu.dma_semaphore, #tpu.memory_space<semaphore_mem>>) src(%arg3 : memref<1x4096xi32, #tpu.memory_space<hbm>>) dst(%arg5 : memref<1x4096xi32, #tpu.memory_space<vmem>>)
    %add3A_3 = arith.constant 0 : i32
    %add3A_4 = arith.addi %mul3A_2, %add3A_3 : i32
    %dma_start3A = arith.constant 0 : i32
    %dma_start3A_5 = arith.constant 0 : i32
    %dma_start3A_6 = arith.constant 0 : i32
    %dma_start3A_7 = arith.constant 0 : i32
    %dma_start3A_8 = tpu.memref_slice %arg6[%dma_start3A, %dma_start3A_6, %dma_start3A_7] : memref<2x32x1024xf32, #tpu.memory_space<vmem>> -> memref<1x32x1024xf32, #tpu.memory_space<vmem>>
    %dma_start3A_9 = tpu.memref_squeeze %dma_start3A_8 : memref<1x32x1024xf32, #tpu.memory_space<vmem>> -> memref<32x1024xf32, #tpu.memory_space<vmem>>
    %dma_start3A_10 = arith.constant 0 : i32
    %dma_start3A_11 = tpu.memref_slice %arg2[%add3A_4, %dma_start3A_10] : memref<4096x1024xf32, #tpu.memory_space<hbm>> -> memref<32x1024xf32, #tpu.memory_space<hbm>>
    %dma_start3A_12 = tpu.memref_slice %arg8[%dma_start3A_5] : memref<2x!tpu.dma_semaphore, #tpu.memory_space<semaphore_mem>> -> memref<1x!tpu.dma_semaphore, #tpu.memory_space<semaphore_mem>>
    %dma_start3A_13 = tpu.memref_squeeze %dma_start3A_12 : memref<1x!tpu.dma_semaphore, #tpu.memory_space<semaphore_mem>> -> memref<!tpu.dma_semaphore, #tpu.memory_space<semaphore_mem>>
    %dma_start3A_14 = arith.constant 0 : i32
    %dma_start3A_15 = arith.constant 0 : i32
    %dma_start3A_16 = tpu.memref_slice %arg6[%dma_start3A, %dma_start3A_14, %dma_start3A_15] : memref<2x32x1024xf32, #tpu.memory_space<vmem>> -> memref<1x32x1024xf32, #tpu.memory_space<vmem>>
    %dma_start3A_17 = tpu.memref_squeeze %dma_start3A_16 : memref<1x32x1024xf32, #tpu.memory_space<vmem>> -> memref<32x1024xf32, #tpu.memory_space<vmem>>
    %dma_start3A_18 = arith.constant 0 : i32
    %dma_start3A_19 = tpu.memref_slice %arg2[%add3A_4, %dma_start3A_18] : memref<4096x1024xf32, #tpu.memory_space<hbm>> -> memref<32x1024xf32, #tpu.memory_space<hbm>>
    tpu.enqueue_dma source(%dma_start3A_19 : memref<32x1024xf32, #tpu.memory_space<hbm>>) target(%dma_start3A_17 : memref<32x1024xf32, #tpu.memory_space<vmem>>) target_semaphore(%dma_start3A_13 : memref<!tpu.dma_semaphore, #tpu.memory_space<semaphore_mem>>)
    %add3A_20 = arith.constant 32 : i32
    %add3A_21 = arith.addi %mul3A_2, %add3A_20 : i32
    %dma_start3A_22 = arith.constant 1 : i32
    %dma_start3A_23 = arith.constant 1 : i32
    %dma_start3A_24 = arith.constant 0 : i32
    %dma_start3A_25 = arith.constant 0 : i32
    %dma_start3A_26 = tpu.memref_slice %arg6[%dma_start3A_22, %dma_start3A_24, %dma_start3A_25] : memref<2x32x1024xf32, #tpu.memory_space<vmem>> -> memref<1x32x1024xf32, #tpu.memory_space<vmem>>
    %dma_start3A_27 = tpu.memref_squeeze %dma_start3A_26 : memref<1x32x1024xf32, #tpu.memory_space<vmem>> -> memref<32x1024xf32, #tpu.memory_space<vmem>>
    %dma_start3A_28 = arith.constant 0 : i32
    %dma_start3A_29 = tpu.memref_slice %arg2[%add3A_21, %dma_start3A_28] : memref<4096x1024xf32, #tpu.memory_space<hbm>> -> memref<32x1024xf32, #tpu.memory_space<hbm>>
    %dma_start3A_30 = tpu.memref_slice %arg8[%dma_start3A_23] : memref<2x!tpu.dma_semaphore, #tpu.memory_space<semaphore_mem>> -> memref<1x!tpu.dma_semaphore, #tpu.memory_space<semaphore_mem>>
    %dma_start3A_31 = tpu.memref_squeeze %dma_start3A_30 : memref<1x!tpu.dma_semaphore, #tpu.memory_space<semaphore_mem>> -> memref<!tpu.dma_semaphore, #tpu.memory_space<semaphore_mem>>
    %dma_start3A_32 = arith.constant 0 : i32
    %dma_start3A_33 = arith.constant 0 : i32
    %dma_start3A_34 = tpu.memref_slice %arg6[%dma_start3A_22, %dma_start3A_32, %dma_start3A_33] : memref<2x32x1024xf32, #tpu.memory_space<vmem>> -> memref<1x32x1024xf32, #tpu.memory_space<vmem>>
    %dma_start3A_35 = tpu.memref_squeeze %dma_start3A_34 : memref<1x32x1024xf32, #tpu.memory_space<vmem>> -> memref<32x1024xf32, #tpu.memory_space<vmem>>
    %dma_start3A_36 = arith.constant 0 : i32
    %dma_start3A_37 = tpu.memref_slice %arg2[%add3A_21, %dma_start3A_36] : memref<4096x1024xf32, #tpu.memory_space<hbm>> -> memref<32x1024xf32, #tpu.memory_space<hbm>>
    tpu.enqueue_dma source(%dma_start3A_37 : memref<32x1024xf32, #tpu.memory_space<hbm>>) target(%dma_start3A_35 : memref<32x1024xf32, #tpu.memory_space<vmem>>) target_semaphore(%dma_start3A_31 : memref<!tpu.dma_semaphore, #tpu.memory_space<semaphore_mem>>)
    %dma_wait3A = arith.constant 0 : i32
    %dma_wait3A_38 = arith.constant 0 : i32
    %dma_wait3A_39 = arith.constant 0 : i32
    %dma_wait3A_40 = arith.constant 0 : i32
    %dma_wait3A_41 = tpu.memref_slice %arg6[%dma_wait3A, %dma_wait3A_39, %dma_wait3A_40] : memref<2x32x1024xf32, #tpu.memory_space<vmem>> -> memref<1x32x1024xf32, #tpu.memory_space<vmem>>
    %dma_wait3A_42 = tpu.memref_squeeze %dma_wait3A_41 : memref<1x32x1024xf32, #tpu.memory_space<vmem>> -> memref<32x1024xf32, #tpu.memory_space<vmem>>
    %dma_wait3A_43 = arith.constant 0 : i32
    %dma_wait3A_44 = tpu.memref_slice %arg2[%add3A_4, %dma_wait3A_43] : memref<4096x1024xf32, #tpu.memory_space<hbm>> -> memref<32x1024xf32, #tpu.memory_space<hbm>>
    %dma_wait3A_45 = tpu.memref_slice %arg8[%dma_wait3A_38] : memref<2x!tpu.dma_semaphore, #tpu.memory_space<semaphore_mem>> -> memref<1x!tpu.dma_semaphore, #tpu.memory_space<semaphore_mem>>
    %dma_wait3A_46 = tpu.memref_squeeze %dma_wait3A_45 : memref<1x!tpu.dma_semaphore, #tpu.memory_space<semaphore_mem>> -> memref<!tpu.dma_semaphore, #tpu.memory_space<semaphore_mem>>
    %dma_wait3A_47 = arith.constant 0 : i32
    %dma_wait3A_48 = arith.constant 0 : i32
    %dma_wait3A_49 = tpu.memref_slice %arg6[%dma_wait3A, %dma_wait3A_47, %dma_wait3A_48] : memref<2x32x1024xf32, #tpu.memory_space<vmem>> -> memref<1x32x1024xf32, #tpu.memory_space<vmem>>
    %dma_wait3A_50 = tpu.memref_squeeze %dma_wait3A_49 : memref<1x32x1024xf32, #tpu.memory_space<vmem>> -> memref<32x1024xf32, #tpu.memory_space<vmem>>
    %dma_wait3A_51 = arith.constant 0 : i32
    %dma_wait3A_52 = tpu.memref_slice %arg2[%add3A_4, %dma_wait3A_51] : memref<4096x1024xf32, #tpu.memory_space<hbm>> -> memref<32x1024xf32, #tpu.memory_space<hbm>>
    tpu.wait_dma2 semaphore(%dma_wait3A_46 : memref<!tpu.dma_semaphore, #tpu.memory_space<semaphore_mem>>) src(%dma_wait3A_52 : memref<32x1024xf32, #tpu.memory_space<hbm>>) dst(%dma_wait3A_50 : memref<32x1024xf32, #tpu.memory_space<vmem>>)
    %add3A_53 = arith.constant 0 : i32
    %add3A_54 = arith.addi %mul3A_2, %add3A_53 : i32
    %run_scoped3A = arith.constant 0 : i32
    %run_scoped3A_55 = arith.constant 0 : i32
    "tpu.region"() ({
      %run_scoped3A_152 = tpu.sem_alloc : memref<!tpu.dma_semaphore, #tpu.memory_space<semaphore_mem>>
      %dma_start3A_153 = arith.constant 0 : i32
      %dma_start3A_154 = arith.constant 0 : i32
      %dma_start3A_155 = tpu.memref_slice %arg6[%run_scoped3A, %dma_start3A_153, %dma_start3A_154] : memref<2x32x1024xf32, #tpu.memory_space<vmem>> -> memref<1x32x1024xf32, #tpu.memory_space<vmem>>
      %dma_start3A_156 = tpu.memref_squeeze %dma_start3A_155 : memref<1x32x1024xf32, #tpu.memory_space<vmem>> -> memref<32x1024xf32, #tpu.memory_space<vmem>>
      %dma_start3A_157 = tpu.memref_slice %arg5[%run_scoped3A_55, %add3A_54] : memref<1x4096xi32, #tpu.memory_space<vmem>> -> memref<1x32xi32, #tpu.memory_space<vmem>>
      %dma_start3A_158 = tpu.memref_squeeze %dma_start3A_157 : memref<1x32xi32, #tpu.memory_space<vmem>> -> memref<32xi32, #tpu.memory_space<vmem>>
      %dma_start3A_159 = arith.constant 0 : i32
      %dma_start3A_160 = arith.constant 0 : i32
      %dma_start3A_161 = tpu.memref_slice %arg4[%dma_start3A_159, %dma_start3A_160] : memref<4096x1024xf32, #tpu.memory_space<hbm>> -> memref<4096x1024xf32, #tpu.memory_space<hbm>>
      tpu.enqueue_indirect_dma source(%dma_start3A_156 : memref<32x1024xf32, #tpu.memory_space<vmem>>) target(%dma_start3A_161 : memref<4096x1024xf32, #tpu.memory_space<hbm>>) offsets(%dma_start3A_158 : memref<32xi32, #tpu.memory_space<vmem>>) semaphore(%run_scoped3A_152 : memref<!tpu.dma_semaphore, #tpu.memory_space<semaphore_mem>>)
      %dma_wait3A_162 = arith.constant 0 : i32
      %dma_wait3A_163 = arith.constant 0 : i32
      %dma_wait3A_164 = tpu.memref_slice %arg6[%run_scoped3A, %dma_wait3A_162, %dma_wait3A_163] : memref<2x32x1024xf32, #tpu.memory_space<vmem>> -> memref<1x32x1024xf32, #tpu.memory_space<vmem>>
      %dma_wait3A_165 = tpu.memref_squeeze %dma_wait3A_164 : memref<1x32x1024xf32, #tpu.memory_space<vmem>> -> memref<32x1024xf32, #tpu.memory_space<vmem>>
      %dma_wait3A_166 = tpu.memref_slice %arg5[%run_scoped3A_55, %add3A_54] : memref<1x4096xi32, #tpu.memory_space<vmem>> -> memref<1x32xi32, #tpu.memory_space<vmem>>
      %dma_wait3A_167 = tpu.memref_squeeze %dma_wait3A_166 : memref<1x32xi32, #tpu.memory_space<vmem>> -> memref<32xi32, #tpu.memory_space<vmem>>
      %dma_wait3A_168 = arith.constant 0 : i32
      %dma_wait3A_169 = arith.constant 0 : i32
      %dma_wait3A_170 = tpu.memref_slice %arg4[%dma_wait3A_168, %dma_wait3A_169] : memref<4096x1024xf32, #tpu.memory_space<hbm>> -> memref<4096x1024xf32, #tpu.memory_space<hbm>>
      tpu.wait_indirect_dma semaphore(%run_scoped3A_152 : memref<!tpu.dma_semaphore, #tpu.memory_space<semaphore_mem>>) src(%dma_wait3A_165 : memref<32x1024xf32, #tpu.memory_space<vmem>>) dst(%dma_wait3A_170 : memref<4096x1024xf32, #tpu.memory_space<hbm>>)
      tpu.yield
    }) : () -> ()
    %add3A_56 = arith.constant 64 : i32
    %add3A_57 = arith.addi %mul3A_2, %add3A_56 : i32
    %dma_start3A_58 = arith.constant 0 : i32
    %dma_start3A_59 = arith.constant 0 : i32
    %dma_start3A_60 = arith.constant 0 : i32
    %dma_start3A_61 = arith.constant 0 : i32
    %dma_start3A_62 = tpu.memref_slice %arg6[%dma_start3A_58, %dma_start3A_60, %dma_start3A_61] : memref<2x32x1024xf32, #tpu.memory_space<vmem>> -> memref<1x32x1024xf32, #tpu.memory_space<vmem>>
    %dma_start3A_63 = tpu.memref_squeeze %dma_start3A_62 : memref<1x32x1024xf32, #tpu.memory_space<vmem>> -> memref<32x1024xf32, #tpu.memory_space<vmem>>
    %dma_start3A_64 = arith.constant 0 : i32
    %dma_start3A_65 = tpu.memref_slice %arg2[%add3A_57, %dma_start3A_64] : memref<4096x1024xf32, #tpu.memory_space<hbm>> -> memref<32x1024xf32, #tpu.memory_space<hbm>>
    %dma_start3A_66 = tpu.memref_slice %arg8[%dma_start3A_59] : memref<2x!tpu.dma_semaphore, #tpu.memory_space<semaphore_mem>> -> memref<1x!tpu.dma_semaphore, #tpu.memory_space<semaphore_mem>>
    %dma_start3A_67 = tpu.memref_squeeze %dma_start3A_66 : memref<1x!tpu.dma_semaphore, #tpu.memory_space<semaphore_mem>> -> memref<!tpu.dma_semaphore, #tpu.memory_space<semaphore_mem>>
    %dma_start3A_68 = arith.constant 0 : i32
    %dma_start3A_69 = arith.constant 0 : i32
    %dma_start3A_70 = tpu.memref_slice %arg6[%dma_start3A_58, %dma_start3A_68, %dma_start3A_69] : memref<2x32x1024xf32, #tpu.memory_space<vmem>> -> memref<1x32x1024xf32, #tpu.memory_space<vmem>>
    %dma_start3A_71 = tpu.memref_squeeze %dma_start3A_70 : memref<1x32x1024xf32, #tpu.memory_space<vmem>> -> memref<32x1024xf32, #tpu.memory_space<vmem>>
    %dma_start3A_72 = arith.constant 0 : i32
    %dma_start3A_73 = tpu.memref_slice %arg2[%add3A_57, %dma_start3A_72] : memref<4096x1024xf32, #tpu.memory_space<hbm>> -> memref<32x1024xf32, #tpu.memory_space<hbm>>
    tpu.enqueue_dma source(%dma_start3A_73 : memref<32x1024xf32, #tpu.memory_space<hbm>>) target(%dma_start3A_71 : memref<32x1024xf32, #tpu.memory_space<vmem>>) target_semaphore(%dma_start3A_67 : memref<!tpu.dma_semaphore, #tpu.memory_space<semaphore_mem>>)
    %dma_wait3A_74 = arith.constant 1 : i32
    %dma_wait3A_75 = arith.constant 1 : i32
    %dma_wait3A_76 = arith.constant 0 : i32
    %dma_wait3A_77 = arith.constant 0 : i32
    %dma_wait3A_78 = tpu.memref_slice %arg6[%dma_wait3A_74, %dma_wait3A_76, %dma_wait3A_77] : memref<2x32x1024xf32, #tpu.memory_space<vmem>> -> memref<1x32x1024xf32, #tpu.memory_space<vmem>>
    %dma_wait3A_79 = tpu.memref_squeeze %dma_wait3A_78 : memref<1x32x1024xf32, #tpu.memory_space<vmem>> -> memref<32x1024xf32, #tpu.memory_space<vmem>>
    %dma_wait3A_80 = arith.constant 0 : i32
    %dma_wait3A_81 = tpu.memref_slice %arg2[%add3A_21, %dma_wait3A_80] : memref<4096x1024xf32, #tpu.memory_space<hbm>> -> memref<32x1024xf32, #tpu.memory_space<hbm>>
    %dma_wait3A_82 = tpu.memref_slice %arg8[%dma_wait3A_75] : memref<2x!tpu.dma_semaphore, #tpu.memory_space<semaphore_mem>> -> memref<1x!tpu.dma_semaphore, #tpu.memory_space<semaphore_mem>>
    %dma_wait3A_83 = tpu.memref_squeeze %dma_wait3A_82 : memref<1x!tpu.dma_semaphore, #tpu.memory_space<semaphore_mem>> -> memref<!tpu.dma_semaphore, #tpu.memory_space<semaphore_mem>>
    %dma_wait3A_84 = arith.constant 0 : i32
    %dma_wait3A_85 = arith.constant 0 : i32
    %dma_wait3A_86 = tpu.memref_slice %arg6[%dma_wait3A_74, %dma_wait3A_84, %dma_wait3A_85] : memref<2x32x1024xf32, #tpu.memory_space<vmem>> -> memref<1x32x1024xf32, #tpu.memory_space<vmem>>
    %dma_wait3A_87 = tpu.memref_squeeze %dma_wait3A_86 : memref<1x32x1024xf32, #tpu.memory_space<vmem>> -> memref<32x1024xf32, #tpu.memory_space<vmem>>
    %dma_wait3A_88 = arith.constant 0 : i32
    %dma_wait3A_89 = tpu.memref_slice %arg2[%add3A_21, %dma_wait3A_88] : memref<4096x1024xf32, #tpu.memory_space<hbm>> -> memref<32x1024xf32, #tpu.memory_space<hbm>>
    tpu.wait_dma2 semaphore(%dma_wait3A_83 : memref<!tpu.dma_semaphore, #tpu.memory_space<semaphore_mem>>) src(%dma_wait3A_89 : memref<32x1024xf32, #tpu.memory_space<hbm>>) dst(%dma_wait3A_87 : memref<32x1024xf32, #tpu.memory_space<vmem>>)
    %add3A_90 = arith.constant 32 : i32
    %add3A_91 = arith.addi %mul3A_2, %add3A_90 : i32
    %run_scoped3A_92 = arith.constant 1 : i32
    %run_scoped3A_93 = arith.constant 0 : i32
    "tpu.region"() ({
      %run_scoped3A_152 = tpu.sem_alloc : memref<!tpu.dma_semaphore, #tpu.memory_space<semaphore_mem>>
      %dma_start3A_153 = arith.constant 0 : i32
      %dma_start3A_154 = arith.constant 0 : i32
      %dma_start3A_155 = tpu.memref_slice %arg6[%run_scoped3A_92, %dma_start3A_153, %dma_start3A_154] : memref<2x32x1024xf32, #tpu.memory_space<vmem>> -> memref<1x32x1024xf32, #tpu.memory_space<vmem>>
      %dma_start3A_156 = tpu.memref_squeeze %dma_start3A_155 : memref<1x32x1024xf32, #tpu.memory_space<vmem>> -> memref<32x1024xf32, #tpu.memory_space<vmem>>
      %dma_start3A_157 = tpu.memref_slice %arg5[%run_scoped3A_93, %add3A_91] : memref<1x4096xi32, #tpu.memory_space<vmem>> -> memref<1x32xi32, #tpu.memory_space<vmem>>
      %dma_start3A_158 = tpu.memref_squeeze %dma_start3A_157 : memref<1x32xi32, #tpu.memory_space<vmem>> -> memref<32xi32, #tpu.memory_space<vmem>>
      %dma_start3A_159 = arith.constant 0 : i32
      %dma_start3A_160 = arith.constant 0 : i32
      %dma_start3A_161 = tpu.memref_slice %arg4[%dma_start3A_159, %dma_start3A_160] : memref<4096x1024xf32, #tpu.memory_space<hbm>> -> memref<4096x1024xf32, #tpu.memory_space<hbm>>
      tpu.enqueue_indirect_dma source(%dma_start3A_156 : memref<32x1024xf32, #tpu.memory_space<vmem>>) target(%dma_start3A_161 : memref<4096x1024xf32, #tpu.memory_space<hbm>>) offsets(%dma_start3A_158 : memref<32xi32, #tpu.memory_space<vmem>>) semaphore(%run_scoped3A_152 : memref<!tpu.dma_semaphore, #tpu.memory_space<semaphore_mem>>)
      %dma_wait3A_162 = arith.constant 0 : i32
      %dma_wait3A_163 = arith.constant 0 : i32
      %dma_wait3A_164 = tpu.memref_slice %arg6[%run_scoped3A_92, %dma_wait3A_162, %dma_wait3A_163] : memref<2x32x1024xf32, #tpu.memory_space<vmem>> -> memref<1x32x1024xf32, #tpu.memory_space<vmem>>
      %dma_wait3A_165 = tpu.memref_squeeze %dma_wait3A_164 : memref<1x32x1024xf32, #tpu.memory_space<vmem>> -> memref<32x1024xf32, #tpu.memory_space<vmem>>
      %dma_wait3A_166 = tpu.memref_slice %arg5[%run_scoped3A_93, %add3A_91] : memref<1x4096xi32, #tpu.memory_space<vmem>> -> memref<1x32xi32, #tpu.memory_space<vmem>>
      %dma_wait3A_167 = tpu.memref_squeeze %dma_wait3A_166 : memref<1x32xi32, #tpu.memory_space<vmem>> -> memref<32xi32, #tpu.memory_space<vmem>>
      %dma_wait3A_168 = arith.constant 0 : i32
      %dma_wait3A_169 = arith.constant 0 : i32
      %dma_wait3A_170 = tpu.memref_slice %arg4[%dma_wait3A_168, %dma_wait3A_169] : memref<4096x1024xf32, #tpu.memory_space<hbm>> -> memref<4096x1024xf32, #tpu.memory_space<hbm>>
      tpu.wait_indirect_dma semaphore(%run_scoped3A_152 : memref<!tpu.dma_semaphore, #tpu.memory_space<semaphore_mem>>) src(%dma_wait3A_165 : memref<32x1024xf32, #tpu.memory_space<vmem>>) dst(%dma_wait3A_170 : memref<4096x1024xf32, #tpu.memory_space<hbm>>)
      tpu.yield
    }) : () -> ()
    %add3A_94 = arith.constant 96 : i32
    %add3A_95 = arith.addi %mul3A_2, %add3A_94 : i32
    %dma_start3A_96 = arith.constant 1 : i32
    %dma_start3A_97 = arith.constant 1 : i32
    %dma_start3A_98 = arith.constant 0 : i32
    %dma_start3A_99 = arith.constant 0 : i32
    %dma_start3A_100 = tpu.memref_slice %arg6[%dma_start3A_96, %dma_start3A_98, %dma_start3A_99] : memref<2x32x1024xf32, #tpu.memory_space<vmem>> -> memref<1x32x1024xf32, #tpu.memory_space<vmem>>
    %dma_start3A_101 = tpu.memref_squeeze %dma_start3A_100 : memref<1x32x1024xf32, #tpu.memory_space<vmem>> -> memref<32x1024xf32, #tpu.memory_space<vmem>>
    %dma_start3A_102 = arith.constant 0 : i32
    %dma_start3A_103 = tpu.memref_slice %arg2[%add3A_95, %dma_start3A_102] : memref<4096x1024xf32, #tpu.memory_space<hbm>> -> memref<32x1024xf32, #tpu.memory_space<hbm>>
    %dma_start3A_104 = tpu.memref_slice %arg8[%dma_start3A_97] : memref<2x!tpu.dma_semaphore, #tpu.memory_space<semaphore_mem>> -> memref<1x!tpu.dma_semaphore, #tpu.memory_space<semaphore_mem>>
    %dma_start3A_105 = tpu.memref_squeeze %dma_start3A_104 : memref<1x!tpu.dma_semaphore, #tpu.memory_space<semaphore_mem>> -> memref<!tpu.dma_semaphore, #tpu.memory_space<semaphore_mem>>
    %dma_start3A_106 = arith.constant 0 : i32
    %dma_start3A_107 = arith.constant 0 : i32
    %dma_start3A_108 = tpu.memref_slice %arg6[%dma_start3A_96, %dma_start3A_106, %dma_start3A_107] : memref<2x32x1024xf32, #tpu.memory_space<vmem>> -> memref<1x32x1024xf32, #tpu.memory_space<vmem>>
    %dma_start3A_109 = tpu.memref_squeeze %dma_start3A_108 : memref<1x32x1024xf32, #tpu.memory_space<vmem>> -> memref<32x1024xf32, #tpu.memory_space<vmem>>
    %dma_start3A_110 = arith.constant 0 : i32
    %dma_start3A_111 = tpu.memref_slice %arg2[%add3A_95, %dma_start3A_110] : memref<4096x1024xf32, #tpu.memory_space<hbm>> -> memref<32x1024xf32, #tpu.memory_space<hbm>>
    tpu.enqueue_dma source(%dma_start3A_111 : memref<32x1024xf32, #tpu.memory_space<hbm>>) target(%dma_start3A_109 : memref<32x1024xf32, #tpu.memory_space<vmem>>) target_semaphore(%dma_start3A_105 : memref<!tpu.dma_semaphore, #tpu.memory_space<semaphore_mem>>)
    %dma_wait3A_112 = arith.constant 0 : i32
    %dma_wait3A_113 = arith.constant 0 : i32
    %dma_wait3A_114 = arith.constant 0 : i32
    %dma_wait3A_115 = arith.constant 0 : i32
    %dma_wait3A_116 = tpu.memref_slice %arg6[%dma_wait3A_112, %dma_wait3A_114, %dma_wait3A_115] : memref<2x32x1024xf32, #tpu.memory_space<vmem>> -> memref<1x32x1024xf32, #tpu.memory_space<vmem>>
    %dma_wait3A_117 = tpu.memref_squeeze %dma_wait3A_116 : memref<1x32x1024xf32, #tpu.memory_space<vmem>> -> memref<32x1024xf32, #tpu.memory_space<vmem>>
    %dma_wait3A_118 = arith.constant 0 : i32
    %dma_wait3A_119 = tpu.memref_slice %arg2[%add3A_57, %dma_wait3A_118] : memref<4096x1024xf32, #tpu.memory_space<hbm>> -> memref<32x1024xf32, #tpu.memory_space<hbm>>
    %dma_wait3A_120 = tpu.memref_slice %arg8[%dma_wait3A_113] : memref<2x!tpu.dma_semaphore, #tpu.memory_space<semaphore_mem>> -> memref<1x!tpu.dma_semaphore, #tpu.memory_space<semaphore_mem>>
    %dma_wait3A_121 = tpu.memref_squeeze %dma_wait3A_120 : memref<1x!tpu.dma_semaphore, #tpu.memory_space<semaphore_mem>> -> memref<!tpu.dma_semaphore, #tpu.memory_space<semaphore_mem>>
    %dma_wait3A_122 = arith.constant 0 : i32
    %dma_wait3A_123 = arith.constant 0 : i32
    %dma_wait3A_124 = tpu.memref_slice %arg6[%dma_wait3A_112, %dma_wait3A_122, %dma_wait3A_123] : memref<2x32x1024xf32, #tpu.memory_space<vmem>> -> memref<1x32x1024xf32, #tpu.memory_space<vmem>>
    %dma_wait3A_125 = tpu.memref_squeeze %dma_wait3A_124 : memref<1x32x1024xf32, #tpu.memory_space<vmem>> -> memref<32x1024xf32, #tpu.memory_space<vmem>>
    %dma_wait3A_126 = arith.constant 0 : i32
    %dma_wait3A_127 = tpu.memref_slice %arg2[%add3A_57, %dma_wait3A_126] : memref<4096x1024xf32, #tpu.memory_space<hbm>> -> memref<32x1024xf32, #tpu.memory_space<hbm>>
    tpu.wait_dma2 semaphore(%dma_wait3A_121 : memref<!tpu.dma_semaphore, #tpu.memory_space<semaphore_mem>>) src(%dma_wait3A_127 : memref<32x1024xf32, #tpu.memory_space<hbm>>) dst(%dma_wait3A_125 : memref<32x1024xf32, #tpu.memory_space<vmem>>)
    %add3A_128 = arith.constant 64 : i32
    %add3A_129 = arith.addi %mul3A_2, %add3A_128 : i32
    %run_scoped3A_130 = arith.constant 0 : i32
    %run_scoped3A_131 = arith.constant 0 : i32
    "tpu.region"() ({
      %run_scoped3A_152 = tpu.sem_alloc : memref<!tpu.dma_semaphore, #tpu.memory_space<semaphore_mem>>
      %dma_start3A_153 = arith.constant 0 : i32
      %dma_start3A_154 = arith.constant 0 : i32
      %dma_start3A_155 = tpu.memref_slice %arg6[%run_scoped3A_130, %dma_start3A_153, %dma_start3A_154] : memref<2x32x1024xf32, #tpu.memory_space<vmem>> -> memref<1x32x1024xf32, #tpu.memory_space<vmem>>
      %dma_start3A_156 = tpu.memref_squeeze %dma_start3A_155 : memref<1x32x1024xf32, #tpu.memory_space<vmem>> -> memref<32x1024xf32, #tpu.memory_space<vmem>>
      %dma_start3A_157 = tpu.memref_slice %arg5[%run_scoped3A_131, %add3A_129] : memref<1x4096xi32, #tpu.memory_space<vmem>> -> memref<1x32xi32, #tpu.memory_space<vmem>>
      %dma_start3A_158 = tpu.memref_squeeze %dma_start3A_157 : memref<1x32xi32, #tpu.memory_space<vmem>> -> memref<32xi32, #tpu.memory_space<vmem>>
      %dma_start3A_159 = arith.constant 0 : i32
      %dma_start3A_160 = arith.constant 0 : i32
      %dma_start3A_161 = tpu.memref_slice %arg4[%dma_start3A_159, %dma_start3A_160] : memref<4096x1024xf32, #tpu.memory_space<hbm>> -> memref<4096x1024xf32, #tpu.memory_space<hbm>>
      tpu.enqueue_indirect_dma source(%dma_start3A_156 : memref<32x1024xf32, #tpu.memory_space<vmem>>) target(%dma_start3A_161 : memref<4096x1024xf32, #tpu.memory_space<hbm>>) offsets(%dma_start3A_158 : memref<32xi32, #tpu.memory_space<vmem>>) semaphore(%run_scoped3A_152 : memref<!tpu.dma_semaphore, #tpu.memory_space<semaphore_mem>>)
      %dma_wait3A_162 = arith.constant 0 : i32
      %dma_wait3A_163 = arith.constant 0 : i32
      %dma_wait3A_164 = tpu.memref_slice %arg6[%run_scoped3A_130, %dma_wait3A_162, %dma_wait3A_163] : memref<2x32x1024xf32, #tpu.memory_space<vmem>> -> memref<1x32x1024xf32, #tpu.memory_space<vmem>>
      %dma_wait3A_165 = tpu.memref_squeeze %dma_wait3A_164 : memref<1x32x1024xf32, #tpu.memory_space<vmem>> -> memref<32x1024xf32, #tpu.memory_space<vmem>>
      %dma_wait3A_166 = tpu.memref_slice %arg5[%run_scoped3A_131, %add3A_129] : memref<1x4096xi32, #tpu.memory_space<vmem>> -> memref<1x32xi32, #tpu.memory_space<vmem>>
      %dma_wait3A_167 = tpu.memref_squeeze %dma_wait3A_166 : memref<1x32xi32, #tpu.memory_space<vmem>> -> memref<32xi32, #tpu.memory_space<vmem>>
      %dma_wait3A_168 = arith.constant 0 : i32
      %dma_wait3A_169 = arith.constant 0 : i32
      %dma_wait3A_170 = tpu.memref_slice %arg4[%dma_wait3A_168, %dma_wait3A_169] : memref<4096x1024xf32, #tpu.memory_space<hbm>> -> memref<4096x1024xf32, #tpu.memory_space<hbm>>
      tpu.wait_indirect_dma semaphore(%run_scoped3A_152 : memref<!tpu.dma_semaphore, #tpu.memory_space<semaphore_mem>>) src(%dma_wait3A_165 : memref<32x1024xf32, #tpu.memory_space<vmem>>) dst(%dma_wait3A_170 : memref<4096x1024xf32, #tpu.memory_space<hbm>>)
      tpu.yield
    }) : () -> ()
    %dma_wait3A_132 = arith.constant 1 : i32
    %dma_wait3A_133 = arith.constant 1 : i32
    %dma_wait3A_134 = arith.constant 0 : i32
    %dma_wait3A_135 = arith.constant 0 : i32
    %dma_wait3A_136 = tpu.memref_slice %arg6[%dma_wait3A_132, %dma_wait3A_134, %dma_wait3A_135] : memref<2x32x1024xf32, #tpu.memory_space<vmem>> -> memref<1x32x1024xf32, #tpu.memory_space<vmem>>
    %dma_wait3A_137 = tpu.memref_squeeze %dma_wait3A_136 : memref<1x32x1024xf32, #tpu.memory_space<vmem>> -> memref<32x1024xf32, #tpu.memory_space<vmem>>
    %dma_wait3A_138 = arith.constant 0 : i32
    %dma_wait3A_139 = tpu.memref_slice %arg2[%add3A_95, %dma_wait3A_138] : memref<4096x1024xf32, #tpu.memory_space<hbm>> -> memref<32x1024xf32, #tpu.memory_space<hbm>>
    %dma_wait3A_140 = tpu.memref_slice %arg8[%dma_wait3A_133] : memref<2x!tpu.dma_semaphore, #tpu.memory_space<semaphore_mem>> -> memref<1x!tpu.dma_semaphore, #tpu.memory_space<semaphore_mem>>
    %dma_wait3A_141 = tpu.memref_squeeze %dma_wait3A_140 : memref<1x!tpu.dma_semaphore, #tpu.memory_space<semaphore_mem>> -> memref<!tpu.dma_semaphore, #tpu.memory_space<semaphore_mem>>
    %dma_wait3A_142 = arith.constant 0 : i32
    %dma_wait3A_143 = arith.constant 0 : i32
    %dma_wait3A_144 = tpu.memref_slice %arg6[%dma_wait3A_132, %dma_wait3A_142, %dma_wait3A_143] : memref<2x32x1024xf32, #tpu.memory_space<vmem>> -> memref<1x32x1024xf32, #tpu.memory_space<vmem>>
    %dma_wait3A_145 = tpu.memref_squeeze %dma_wait3A_144 : memref<1x32x1024xf32, #tpu.memory_space<vmem>> -> memref<32x1024xf32, #tpu.memory_space<vmem>>
    %dma_wait3A_146 = arith.constant 0 : i32
    %dma_wait3A_147 = tpu.memref_slice %arg2[%add3A_95, %dma_wait3A_146] : memref<4096x1024xf32, #tpu.memory_space<hbm>> -> memref<32x1024xf32, #tpu.memory_space<hbm>>
    tpu.wait_dma2 semaphore(%dma_wait3A_141 : memref<!tpu.dma_semaphore, #tpu.memory_space<semaphore_mem>>) src(%dma_wait3A_147 : memref<32x1024xf32, #tpu.memory_space<hbm>>) dst(%dma_wait3A_145 : memref<32x1024xf32, #tpu.memory_space<vmem>>)
    %add3A_148 = arith.constant 96 : i32
    %add3A_149 = arith.addi %mul3A_2, %add3A_148 : i32
    %run_scoped3A_150 = arith.constant 1 : i32
    %run_scoped3A_151 = arith.constant 0 : i32
    "tpu.region"() ({
      %run_scoped3A_152 = tpu.sem_alloc : memref<!tpu.dma_semaphore, #tpu.memory_space<semaphore_mem>>
      %dma_start3A_153 = arith.constant 0 : i32
      %dma_start3A_154 = arith.constant 0 : i32
      %dma_start3A_155 = tpu.memref_slice %arg6[%run_scoped3A_150, %dma_start3A_153, %dma_start3A_154] : memref<2x32x1024xf32, #tpu.memory_space<vmem>> -> memref<1x32x1024xf32, #tpu.memory_space<vmem>>
      %dma_start3A_156 = tpu.memref_squeeze %dma_start3A_155 : memref<1x32x1024xf32, #tpu.memory_space<vmem>> -> memref<32x1024xf32, #tpu.memory_space<vmem>>
      %dma_start3A_157 = tpu.memref_slice %arg5[%run_scoped3A_151, %add3A_149] : memref<1x4096xi32, #tpu.memory_space<vmem>> -> memref<1x32xi32, #tpu.memory_space<vmem>>
      %dma_start3A_158 = tpu.memref_squeeze %dma_start3A_157 : memref<1x32xi32, #tpu.memory_space<vmem>> -> memref<32xi32, #tpu.memory_space<vmem>>
      %dma_start3A_159 = arith.constant 0 : i32
      %dma_start3A_160 = arith.constant 0 : i32
      %dma_start3A_161 = tpu.memref_slice %arg4[%dma_start3A_159, %dma_start3A_160] : memref<4096x1024xf32, #tpu.memory_space<hbm>> -> memref<4096x1024xf32, #tpu.memory_space<hbm>>
      tpu.enqueue_indirect_dma source(%dma_start3A_156 : memref<32x1024xf32, #tpu.memory_space<vmem>>) target(%dma_start3A_161 : memref<4096x1024xf32, #tpu.memory_space<hbm>>) offsets(%dma_start3A_158 : memref<32xi32, #tpu.memory_space<vmem>>) semaphore(%run_scoped3A_152 : memref<!tpu.dma_semaphore, #tpu.memory_space<semaphore_mem>>)
      %dma_wait3A_162 = arith.constant 0 : i32
      %dma_wait3A_163 = arith.constant 0 : i32
      %dma_wait3A_164 = tpu.memref_slice %arg6[%run_scoped3A_150, %dma_wait3A_162, %dma_wait3A_163] : memref<2x32x1024xf32, #tpu.memory_space<vmem>> -> memref<1x32x1024xf32, #tpu.memory_space<vmem>>
      %dma_wait3A_165 = tpu.memref_squeeze %dma_wait3A_164 : memref<1x32x1024xf32, #tpu.memory_space<vmem>> -> memref<32x1024xf32, #tpu.memory_space<vmem>>
      %dma_wait3A_166 = tpu.memref_slice %arg5[%run_scoped3A_151, %add3A_149] : memref<1x4096xi32, #tpu.memory_space<vmem>> -> memref<1x32xi32, #tpu.memory_space<vmem>>
      %dma_wait3A_167 = tpu.memref_squeeze %dma_wait3A_166 : memref<1x32xi32, #tpu.memory_space<vmem>> -> memref<32xi32, #tpu.memory_space<vmem>>
      %dma_wait3A_168 = arith.constant 0 : i32
      %dma_wait3A_169 = arith.constant 0 : i32
      %dma_wait3A_170 = tpu.memref_slice %arg4[%dma_wait3A_168, %dma_wait3A_169] : memref<4096x1024xf32, #tpu.memory_space<hbm>> -> memref<4096x1024xf32, #tpu.memory_space<hbm>>
      tpu.wait_indirect_dma semaphore(%run_scoped3A_152 : memref<!tpu.dma_semaphore, #tpu.memory_space<semaphore_mem>>) src(%dma_wait3A_165 : memref<32x1024xf32, #tpu.memory_space<vmem>>) dst(%dma_wait3A_170 : memref<4096x1024xf32, #tpu.memory_space<hbm>>)
      tpu.yield
    }) : () -> ()
    return
  }
}

module attributes {stable_mosaic.version = 14 : i64} {
  func.func @_body(%arg0: i32, %arg1: memref<4096xi32, #tpu.memory_space<smem>>, %arg2: memref<512x1024xf32, #tpu.memory_space<vmem>>, %arg3: memref<4096x1024xf32, #tpu.memory_space<any>>, %arg4: memref<1024x1024xf32, #tpu.memory_space<vmem>>, %arg5: memref<1024x1024xf32, #tpu.memory_space<vmem>>, %arg6: memref<1024x1024xf32, #tpu.memory_space<vmem>>, %arg7: memref<1024x1024xf32, #tpu.memory_space<vmem>>, %arg8: memref<512x1024xf32, #tpu.memory_space<vmem>>, %arg9: memref<16x1024xf32, #tpu.memory_space<vmem>>, %arg10: memref<256x1024xbf16, #tpu.memory_space<vmem>>, %arg11: memref<256x1024xf32, #tpu.memory_space<vmem>>, %arg12: memref<1024x1024xbf16, #tpu.memory_space<vmem>>, %arg13: memref<16x!tpu.dma_semaphore, #tpu.memory_space<semaphore_mem>>) attributes {dimension_semantics = [#tpu.dimension_semantics<arbitrary>], iteration_bounds = array<i64: 8>, scalar_prefetch = 1 : i64, scratch_operands = 5 : i64, tpu.core_type = #tpu.core_type<tc>, window_params = [{transform_indices = @transform_0, window_bounds = array<i64: 512, 1024>}, {}, {pipeline_mode = #tpu.pipeline_mode<synchronous>, transform_indices = @transform_2, window_bounds = array<i64: 1024, 1024>}, {pipeline_mode = #tpu.pipeline_mode<synchronous>, transform_indices = @transform_3, window_bounds = array<i64: 1024, 1024>}, {pipeline_mode = #tpu.pipeline_mode<synchronous>, transform_indices = @transform_4, window_bounds = array<i64: 1024, 1024>}, {pipeline_mode = #tpu.pipeline_mode<synchronous>, transform_indices = @transform_5, window_bounds = array<i64: 1024, 1024>}, {transform_indices = @transform_6, window_bounds = array<i64: 512, 1024>}]} {
    %eq3A = arith.constant 0 : i32
    %eq3A_0 = arith.cmpi eq, %arg0, %eq3A : i32
    %convert_element_type3A = arith.extui %eq3A_0 : i1 to i32
    %cond3A = arith.constant 0 : i32
    %cond3A_1 = arith.cmpi ne, %convert_element_type3A, %cond3A : i32
    scf.if %cond3A_1 {
      %get3A_221 = arith.constant 0 : index
      %get3A_222 = memref.load %arg1[%get3A_221] : memref<4096xi32, #tpu.memory_space<smem>>
      %dma_start3A = arith.constant 0 : i32
      %dma_start3A_223 = tpu.memref_slice %arg13[%dma_start3A] : memref<16x!tpu.dma_semaphore, #tpu.memory_space<semaphore_mem>> -> memref<1x!tpu.dma_semaphore, #tpu.memory_space<semaphore_mem>>
      %dma_start3A_224 = tpu.memref_squeeze %dma_start3A_223 : memref<1x!tpu.dma_semaphore, #tpu.memory_space<semaphore_mem>> -> memref<!tpu.dma_semaphore, #tpu.memory_space<semaphore_mem>>
      %dma_start3A_225 = arith.constant 0 : i32
      %dma_start3A_226 = arith.constant 0 : i32
      %dma_start3A_227 = tpu.memref_slice %arg9[%dma_start3A_225, %dma_start3A_226] : memref<16x1024xf32, #tpu.memory_space<vmem>> -> memref<1x1024xf32, #tpu.memory_space<vmem>>
      %dma_start3A_228 = arith.constant 0 : i32
      %dma_start3A_229 = tpu.memref_slice %arg3[%get3A_222, %dma_start3A_228] : memref<4096x1024xf32, #tpu.memory_space<any>> -> memref<1x1024xf32, #tpu.memory_space<any>>
      tpu.enqueue_dma source(%dma_start3A_229 : memref<1x1024xf32, #tpu.memory_space<any>>) target(%dma_start3A_227 : memref<1x1024xf32, #tpu.memory_space<vmem>>) target_semaphore(%dma_start3A_224 : memref<!tpu.dma_semaphore, #tpu.memory_space<semaphore_mem>>)
      %get3A_230 = arith.constant 256 : index
      %get3A_231 = memref.load %arg1[%get3A_230] : memref<4096xi32, #tpu.memory_space<smem>>
      %dma_start3A_232 = arith.constant 1 : i32
      %dma_start3A_233 = tpu.memref_slice %arg13[%dma_start3A_232] : memref<16x!tpu.dma_semaphore, #tpu.memory_space<semaphore_mem>> -> memref<1x!tpu.dma_semaphore, #tpu.memory_space<semaphore_mem>>
      %dma_start3A_234 = tpu.memref_squeeze %dma_start3A_233 : memref<1x!tpu.dma_semaphore, #tpu.memory_space<semaphore_mem>> -> memref<!tpu.dma_semaphore, #tpu.memory_space<semaphore_mem>>
      %dma_start3A_235 = arith.constant 1 : i32
      %dma_start3A_236 = arith.constant 0 : i32
      %dma_start3A_237 = tpu.memref_slice %arg9[%dma_start3A_235, %dma_start3A_236] : memref<16x1024xf32, #tpu.memory_space<vmem>> -> memref<1x1024xf32, #tpu.memory_space<vmem>>
      %dma_start3A_238 = arith.constant 0 : i32
      %dma_start3A_239 = tpu.memref_slice %arg3[%get3A_231, %dma_start3A_238] : memref<4096x1024xf32, #tpu.memory_space<any>> -> memref<1x1024xf32, #tpu.memory_space<any>>
      tpu.enqueue_dma source(%dma_start3A_239 : memref<1x1024xf32, #tpu.memory_space<any>>) target(%dma_start3A_237 : memref<1x1024xf32, #tpu.memory_space<vmem>>) target_semaphore(%dma_start3A_234 : memref<!tpu.dma_semaphore, #tpu.memory_space<semaphore_mem>>)
      %get3A_240 = arith.constant 512 : index
      %get3A_241 = memref.load %arg1[%get3A_240] : memref<4096xi32, #tpu.memory_space<smem>>
      %dma_start3A_242 = arith.constant 2 : i32
      %dma_start3A_243 = tpu.memref_slice %arg13[%dma_start3A_242] : memref<16x!tpu.dma_semaphore, #tpu.memory_space<semaphore_mem>> -> memref<1x!tpu.dma_semaphore, #tpu.memory_space<semaphore_mem>>
      %dma_start3A_244 = tpu.memref_squeeze %dma_start3A_243 : memref<1x!tpu.dma_semaphore, #tpu.memory_space<semaphore_mem>> -> memref<!tpu.dma_semaphore, #tpu.memory_space<semaphore_mem>>
      %dma_start3A_245 = arith.constant 2 : i32
      %dma_start3A_246 = arith.constant 0 : i32
      %dma_start3A_247 = tpu.memref_slice %arg9[%dma_start3A_245, %dma_start3A_246] : memref<16x1024xf32, #tpu.memory_space<vmem>> -> memref<1x1024xf32, #tpu.memory_space<vmem>>
      %dma_start3A_248 = arith.constant 0 : i32
      %dma_start3A_249 = tpu.memref_slice %arg3[%get3A_241, %dma_start3A_248] : memref<4096x1024xf32, #tpu.memory_space<any>> -> memref<1x1024xf32, #tpu.memory_space<any>>
      tpu.enqueue_dma source(%dma_start3A_249 : memref<1x1024xf32, #tpu.memory_space<any>>) target(%dma_start3A_247 : memref<1x1024xf32, #tpu.memory_space<vmem>>) target_semaphore(%dma_start3A_244 : memref<!tpu.dma_semaphore, #tpu.memory_space<semaphore_mem>>)
      %get3A_250 = arith.constant 768 : index
      %get3A_251 = memref.load %arg1[%get3A_250] : memref<4096xi32, #tpu.memory_space<smem>>
      %dma_start3A_252 = arith.constant 3 : i32
      %dma_start3A_253 = tpu.memref_slice %arg13[%dma_start3A_252] : memref<16x!tpu.dma_semaphore, #tpu.memory_space<semaphore_mem>> -> memref<1x!tpu.dma_semaphore, #tpu.memory_space<semaphore_mem>>
      %dma_start3A_254 = tpu.memref_squeeze %dma_start3A_253 : memref<1x!tpu.dma_semaphore, #tpu.memory_space<semaphore_mem>> -> memref<!tpu.dma_semaphore, #tpu.memory_space<semaphore_mem>>
      %dma_start3A_255 = arith.constant 3 : i32
      %dma_start3A_256 = arith.constant 0 : i32
      %dma_start3A_257 = tpu.memref_slice %arg9[%dma_start3A_255, %dma_start3A_256] : memref<16x1024xf32, #tpu.memory_space<vmem>> -> memref<1x1024xf32, #tpu.memory_space<vmem>>
      %dma_start3A_258 = arith.constant 0 : i32
      %dma_start3A_259 = tpu.memref_slice %arg3[%get3A_251, %dma_start3A_258] : memref<4096x1024xf32, #tpu.memory_space<any>> -> memref<1x1024xf32, #tpu.memory_space<any>>
      tpu.enqueue_dma source(%dma_start3A_259 : memref<1x1024xf32, #tpu.memory_space<any>>) target(%dma_start3A_257 : memref<1x1024xf32, #tpu.memory_space<vmem>>) target_semaphore(%dma_start3A_254 : memref<!tpu.dma_semaphore, #tpu.memory_space<semaphore_mem>>)
      %get3A_260 = arith.constant 1024 : index
      %get3A_261 = memref.load %arg1[%get3A_260] : memref<4096xi32, #tpu.memory_space<smem>>
      %dma_start3A_262 = arith.constant 4 : i32
      %dma_start3A_263 = tpu.memref_slice %arg13[%dma_start3A_262] : memref<16x!tpu.dma_semaphore, #tpu.memory_space<semaphore_mem>> -> memref<1x!tpu.dma_semaphore, #tpu.memory_space<semaphore_mem>>
      %dma_start3A_264 = tpu.memref_squeeze %dma_start3A_263 : memref<1x!tpu.dma_semaphore, #tpu.memory_space<semaphore_mem>> -> memref<!tpu.dma_semaphore, #tpu.memory_space<semaphore_mem>>
      %dma_start3A_265 = arith.constant 4 : i32
      %dma_start3A_266 = arith.constant 0 : i32
      %dma_start3A_267 = tpu.memref_slice %arg9[%dma_start3A_265, %dma_start3A_266] : memref<16x1024xf32, #tpu.memory_space<vmem>> -> memref<1x1024xf32, #tpu.memory_space<vmem>>
      %dma_start3A_268 = arith.constant 0 : i32
      %dma_start3A_269 = tpu.memref_slice %arg3[%get3A_261, %dma_start3A_268] : memref<4096x1024xf32, #tpu.memory_space<any>> -> memref<1x1024xf32, #tpu.memory_space<any>>
      tpu.enqueue_dma source(%dma_start3A_269 : memref<1x1024xf32, #tpu.memory_space<any>>) target(%dma_start3A_267 : memref<1x1024xf32, #tpu.memory_space<vmem>>) target_semaphore(%dma_start3A_264 : memref<!tpu.dma_semaphore, #tpu.memory_space<semaphore_mem>>)
      %get3A_270 = arith.constant 1280 : index
      %get3A_271 = memref.load %arg1[%get3A_270] : memref<4096xi32, #tpu.memory_space<smem>>
      %dma_start3A_272 = arith.constant 5 : i32
      %dma_start3A_273 = tpu.memref_slice %arg13[%dma_start3A_272] : memref<16x!tpu.dma_semaphore, #tpu.memory_space<semaphore_mem>> -> memref<1x!tpu.dma_semaphore, #tpu.memory_space<semaphore_mem>>
      %dma_start3A_274 = tpu.memref_squeeze %dma_start3A_273 : memref<1x!tpu.dma_semaphore, #tpu.memory_space<semaphore_mem>> -> memref<!tpu.dma_semaphore, #tpu.memory_space<semaphore_mem>>
      %dma_start3A_275 = arith.constant 5 : i32
      %dma_start3A_276 = arith.constant 0 : i32
      %dma_start3A_277 = tpu.memref_slice %arg9[%dma_start3A_275, %dma_start3A_276] : memref<16x1024xf32, #tpu.memory_space<vmem>> -> memref<1x1024xf32, #tpu.memory_space<vmem>>
      %dma_start3A_278 = arith.constant 0 : i32
      %dma_start3A_279 = tpu.memref_slice %arg3[%get3A_271, %dma_start3A_278] : memref<4096x1024xf32, #tpu.memory_space<any>> -> memref<1x1024xf32, #tpu.memory_space<any>>
      tpu.enqueue_dma source(%dma_start3A_279 : memref<1x1024xf32, #tpu.memory_space<any>>) target(%dma_start3A_277 : memref<1x1024xf32, #tpu.memory_space<vmem>>) target_semaphore(%dma_start3A_274 : memref<!tpu.dma_semaphore, #tpu.memory_space<semaphore_mem>>)
      %get3A_280 = arith.constant 1536 : index
      %get3A_281 = memref.load %arg1[%get3A_280] : memref<4096xi32, #tpu.memory_space<smem>>
      %dma_start3A_282 = arith.constant 6 : i32
      %dma_start3A_283 = tpu.memref_slice %arg13[%dma_start3A_282] : memref<16x!tpu.dma_semaphore, #tpu.memory_space<semaphore_mem>> -> memref<1x!tpu.dma_semaphore, #tpu.memory_space<semaphore_mem>>
      %dma_start3A_284 = tpu.memref_squeeze %dma_start3A_283 : memref<1x!tpu.dma_semaphore, #tpu.memory_space<semaphore_mem>> -> memref<!tpu.dma_semaphore, #tpu.memory_space<semaphore_mem>>
      %dma_start3A_285 = arith.constant 6 : i32
      %dma_start3A_286 = arith.constant 0 : i32
      %dma_start3A_287 = tpu.memref_slice %arg9[%dma_start3A_285, %dma_start3A_286] : memref<16x1024xf32, #tpu.memory_space<vmem>> -> memref<1x1024xf32, #tpu.memory_space<vmem>>
      %dma_start3A_288 = arith.constant 0 : i32
      %dma_start3A_289 = tpu.memref_slice %arg3[%get3A_281, %dma_start3A_288] : memref<4096x1024xf32, #tpu.memory_space<any>> -> memref<1x1024xf32, #tpu.memory_space<any>>
      tpu.enqueue_dma source(%dma_start3A_289 : memref<1x1024xf32, #tpu.memory_space<any>>) target(%dma_start3A_287 : memref<1x1024xf32, #tpu.memory_space<vmem>>) target_semaphore(%dma_start3A_284 : memref<!tpu.dma_semaphore, #tpu.memory_space<semaphore_mem>>)
      %get3A_290 = arith.constant 1792 : index
      %get3A_291 = memref.load %arg1[%get3A_290] : memref<4096xi32, #tpu.memory_space<smem>>
      %dma_start3A_292 = arith.constant 7 : i32
      %dma_start3A_293 = tpu.memref_slice %arg13[%dma_start3A_292] : memref<16x!tpu.dma_semaphore, #tpu.memory_space<semaphore_mem>> -> memref<1x!tpu.dma_semaphore, #tpu.memory_space<semaphore_mem>>
      %dma_start3A_294 = tpu.memref_squeeze %dma_start3A_293 : memref<1x!tpu.dma_semaphore, #tpu.memory_space<semaphore_mem>> -> memref<!tpu.dma_semaphore, #tpu.memory_space<semaphore_mem>>
      %dma_start3A_295 = arith.constant 7 : i32
      %dma_start3A_296 = arith.constant 0 : i32
      %dma_start3A_297 = tpu.memref_slice %arg9[%dma_start3A_295, %dma_start3A_296] : memref<16x1024xf32, #tpu.memory_space<vmem>> -> memref<1x1024xf32, #tpu.memory_space<vmem>>
      %dma_start3A_298 = arith.constant 0 : i32
      %dma_start3A_299 = tpu.memref_slice %arg3[%get3A_291, %dma_start3A_298] : memref<4096x1024xf32, #tpu.memory_space<any>> -> memref<1x1024xf32, #tpu.memory_space<any>>
      tpu.enqueue_dma source(%dma_start3A_299 : memref<1x1024xf32, #tpu.memory_space<any>>) target(%dma_start3A_297 : memref<1x1024xf32, #tpu.memory_space<vmem>>) target_semaphore(%dma_start3A_294 : memref<!tpu.dma_semaphore, #tpu.memory_space<semaphore_mem>>)
      %get3A_300 = arith.constant 2048 : index
      %get3A_301 = memref.load %arg1[%get3A_300] : memref<4096xi32, #tpu.memory_space<smem>>
      %dma_start3A_302 = arith.constant 8 : i32
      %dma_start3A_303 = tpu.memref_slice %arg13[%dma_start3A_302] : memref<16x!tpu.dma_semaphore, #tpu.memory_space<semaphore_mem>> -> memref<1x!tpu.dma_semaphore, #tpu.memory_space<semaphore_mem>>
      %dma_start3A_304 = tpu.memref_squeeze %dma_start3A_303 : memref<1x!tpu.dma_semaphore, #tpu.memory_space<semaphore_mem>> -> memref<!tpu.dma_semaphore, #tpu.memory_space<semaphore_mem>>
      %dma_start3A_305 = arith.constant 8 : i32
      %dma_start3A_306 = arith.constant 0 : i32
      %dma_start3A_307 = tpu.memref_slice %arg9[%dma_start3A_305, %dma_start3A_306] : memref<16x1024xf32, #tpu.memory_space<vmem>> -> memref<1x1024xf32, #tpu.memory_space<vmem>>
      %dma_start3A_308 = arith.constant 0 : i32
      %dma_start3A_309 = tpu.memref_slice %arg3[%get3A_301, %dma_start3A_308] : memref<4096x1024xf32, #tpu.memory_space<any>> -> memref<1x1024xf32, #tpu.memory_space<any>>
      tpu.enqueue_dma source(%dma_start3A_309 : memref<1x1024xf32, #tpu.memory_space<any>>) target(%dma_start3A_307 : memref<1x1024xf32, #tpu.memory_space<vmem>>) target_semaphore(%dma_start3A_304 : memref<!tpu.dma_semaphore, #tpu.memory_space<semaphore_mem>>)
      %get3A_310 = arith.constant 2304 : index
      %get3A_311 = memref.load %arg1[%get3A_310] : memref<4096xi32, #tpu.memory_space<smem>>
      %dma_start3A_312 = arith.constant 9 : i32
      %dma_start3A_313 = tpu.memref_slice %arg13[%dma_start3A_312] : memref<16x!tpu.dma_semaphore, #tpu.memory_space<semaphore_mem>> -> memref<1x!tpu.dma_semaphore, #tpu.memory_space<semaphore_mem>>
      %dma_start3A_314 = tpu.memref_squeeze %dma_start3A_313 : memref<1x!tpu.dma_semaphore, #tpu.memory_space<semaphore_mem>> -> memref<!tpu.dma_semaphore, #tpu.memory_space<semaphore_mem>>
      %dma_start3A_315 = arith.constant 9 : i32
      %dma_start3A_316 = arith.constant 0 : i32
      %dma_start3A_317 = tpu.memref_slice %arg9[%dma_start3A_315, %dma_start3A_316] : memref<16x1024xf32, #tpu.memory_space<vmem>> -> memref<1x1024xf32, #tpu.memory_space<vmem>>
      %dma_start3A_318 = arith.constant 0 : i32
      %dma_start3A_319 = tpu.memref_slice %arg3[%get3A_311, %dma_start3A_318] : memref<4096x1024xf32, #tpu.memory_space<any>> -> memref<1x1024xf32, #tpu.memory_space<any>>
      tpu.enqueue_dma source(%dma_start3A_319 : memref<1x1024xf32, #tpu.memory_space<any>>) target(%dma_start3A_317 : memref<1x1024xf32, #tpu.memory_space<vmem>>) target_semaphore(%dma_start3A_314 : memref<!tpu.dma_semaphore, #tpu.memory_space<semaphore_mem>>)
      %get3A_320 = arith.constant 2560 : index
      %get3A_321 = memref.load %arg1[%get3A_320] : memref<4096xi32, #tpu.memory_space<smem>>
      %dma_start3A_322 = arith.constant 10 : i32
      %dma_start3A_323 = tpu.memref_slice %arg13[%dma_start3A_322] : memref<16x!tpu.dma_semaphore, #tpu.memory_space<semaphore_mem>> -> memref<1x!tpu.dma_semaphore, #tpu.memory_space<semaphore_mem>>
      %dma_start3A_324 = tpu.memref_squeeze %dma_start3A_323 : memref<1x!tpu.dma_semaphore, #tpu.memory_space<semaphore_mem>> -> memref<!tpu.dma_semaphore, #tpu.memory_space<semaphore_mem>>
      %dma_start3A_325 = arith.constant 10 : i32
      %dma_start3A_326 = arith.constant 0 : i32
      %dma_start3A_327 = tpu.memref_slice %arg9[%dma_start3A_325, %dma_start3A_326] : memref<16x1024xf32, #tpu.memory_space<vmem>> -> memref<1x1024xf32, #tpu.memory_space<vmem>>
      %dma_start3A_328 = arith.constant 0 : i32
      %dma_start3A_329 = tpu.memref_slice %arg3[%get3A_321, %dma_start3A_328] : memref<4096x1024xf32, #tpu.memory_space<any>> -> memref<1x1024xf32, #tpu.memory_space<any>>
      tpu.enqueue_dma source(%dma_start3A_329 : memref<1x1024xf32, #tpu.memory_space<any>>) target(%dma_start3A_327 : memref<1x1024xf32, #tpu.memory_space<vmem>>) target_semaphore(%dma_start3A_324 : memref<!tpu.dma_semaphore, #tpu.memory_space<semaphore_mem>>)
      %get3A_330 = arith.constant 2816 : index
      %get3A_331 = memref.load %arg1[%get3A_330] : memref<4096xi32, #tpu.memory_space<smem>>
      %dma_start3A_332 = arith.constant 11 : i32
      %dma_start3A_333 = tpu.memref_slice %arg13[%dma_start3A_332] : memref<16x!tpu.dma_semaphore, #tpu.memory_space<semaphore_mem>> -> memref<1x!tpu.dma_semaphore, #tpu.memory_space<semaphore_mem>>
      %dma_start3A_334 = tpu.memref_squeeze %dma_start3A_333 : memref<1x!tpu.dma_semaphore, #tpu.memory_space<semaphore_mem>> -> memref<!tpu.dma_semaphore, #tpu.memory_space<semaphore_mem>>
      %dma_start3A_335 = arith.constant 11 : i32
      %dma_start3A_336 = arith.constant 0 : i32
      %dma_start3A_337 = tpu.memref_slice %arg9[%dma_start3A_335, %dma_start3A_336] : memref<16x1024xf32, #tpu.memory_space<vmem>> -> memref<1x1024xf32, #tpu.memory_space<vmem>>
      %dma_start3A_338 = arith.constant 0 : i32
      %dma_start3A_339 = tpu.memref_slice %arg3[%get3A_331, %dma_start3A_338] : memref<4096x1024xf32, #tpu.memory_space<any>> -> memref<1x1024xf32, #tpu.memory_space<any>>
      tpu.enqueue_dma source(%dma_start3A_339 : memref<1x1024xf32, #tpu.memory_space<any>>) target(%dma_start3A_337 : memref<1x1024xf32, #tpu.memory_space<vmem>>) target_semaphore(%dma_start3A_334 : memref<!tpu.dma_semaphore, #tpu.memory_space<semaphore_mem>>)
      %get3A_340 = arith.constant 3072 : index
      %get3A_341 = memref.load %arg1[%get3A_340] : memref<4096xi32, #tpu.memory_space<smem>>
      %dma_start3A_342 = arith.constant 12 : i32
      %dma_start3A_343 = tpu.memref_slice %arg13[%dma_start3A_342] : memref<16x!tpu.dma_semaphore, #tpu.memory_space<semaphore_mem>> -> memref<1x!tpu.dma_semaphore, #tpu.memory_space<semaphore_mem>>
      %dma_start3A_344 = tpu.memref_squeeze %dma_start3A_343 : memref<1x!tpu.dma_semaphore, #tpu.memory_space<semaphore_mem>> -> memref<!tpu.dma_semaphore, #tpu.memory_space<semaphore_mem>>
      %dma_start3A_345 = arith.constant 12 : i32
      %dma_start3A_346 = arith.constant 0 : i32
      %dma_start3A_347 = tpu.memref_slice %arg9[%dma_start3A_345, %dma_start3A_346] : memref<16x1024xf32, #tpu.memory_space<vmem>> -> memref<1x1024xf32, #tpu.memory_space<vmem>>
      %dma_start3A_348 = arith.constant 0 : i32
      %dma_start3A_349 = tpu.memref_slice %arg3[%get3A_341, %dma_start3A_348] : memref<4096x1024xf32, #tpu.memory_space<any>> -> memref<1x1024xf32, #tpu.memory_space<any>>
      tpu.enqueue_dma source(%dma_start3A_349 : memref<1x1024xf32, #tpu.memory_space<any>>) target(%dma_start3A_347 : memref<1x1024xf32, #tpu.memory_space<vmem>>) target_semaphore(%dma_start3A_344 : memref<!tpu.dma_semaphore, #tpu.memory_space<semaphore_mem>>)
      %get3A_350 = arith.constant 3328 : index
      %get3A_351 = memref.load %arg1[%get3A_350] : memref<4096xi32, #tpu.memory_space<smem>>
      %dma_start3A_352 = arith.constant 13 : i32
      %dma_start3A_353 = tpu.memref_slice %arg13[%dma_start3A_352] : memref<16x!tpu.dma_semaphore, #tpu.memory_space<semaphore_mem>> -> memref<1x!tpu.dma_semaphore, #tpu.memory_space<semaphore_mem>>
      %dma_start3A_354 = tpu.memref_squeeze %dma_start3A_353 : memref<1x!tpu.dma_semaphore, #tpu.memory_space<semaphore_mem>> -> memref<!tpu.dma_semaphore, #tpu.memory_space<semaphore_mem>>
      %dma_start3A_355 = arith.constant 13 : i32
      %dma_start3A_356 = arith.constant 0 : i32
      %dma_start3A_357 = tpu.memref_slice %arg9[%dma_start3A_355, %dma_start3A_356] : memref<16x1024xf32, #tpu.memory_space<vmem>> -> memref<1x1024xf32, #tpu.memory_space<vmem>>
      %dma_start3A_358 = arith.constant 0 : i32
      %dma_start3A_359 = tpu.memref_slice %arg3[%get3A_351, %dma_start3A_358] : memref<4096x1024xf32, #tpu.memory_space<any>> -> memref<1x1024xf32, #tpu.memory_space<any>>
      tpu.enqueue_dma source(%dma_start3A_359 : memref<1x1024xf32, #tpu.memory_space<any>>) target(%dma_start3A_357 : memref<1x1024xf32, #tpu.memory_space<vmem>>) target_semaphore(%dma_start3A_354 : memref<!tpu.dma_semaphore, #tpu.memory_space<semaphore_mem>>)
      %get3A_360 = arith.constant 3584 : index
      %get3A_361 = memref.load %arg1[%get3A_360] : memref<4096xi32, #tpu.memory_space<smem>>
      %dma_start3A_362 = arith.constant 14 : i32
      %dma_start3A_363 = tpu.memref_slice %arg13[%dma_start3A_362] : memref<16x!tpu.dma_semaphore, #tpu.memory_space<semaphore_mem>> -> memref<1x!tpu.dma_semaphore, #tpu.memory_space<semaphore_mem>>
      %dma_start3A_364 = tpu.memref_squeeze %dma_start3A_363 : memref<1x!tpu.dma_semaphore, #tpu.memory_space<semaphore_mem>> -> memref<!tpu.dma_semaphore, #tpu.memory_space<semaphore_mem>>
      %dma_start3A_365 = arith.constant 14 : i32
      %dma_start3A_366 = arith.constant 0 : i32
      %dma_start3A_367 = tpu.memref_slice %arg9[%dma_start3A_365, %dma_start3A_366] : memref<16x1024xf32, #tpu.memory_space<vmem>> -> memref<1x1024xf32, #tpu.memory_space<vmem>>
      %dma_start3A_368 = arith.constant 0 : i32
      %dma_start3A_369 = tpu.memref_slice %arg3[%get3A_361, %dma_start3A_368] : memref<4096x1024xf32, #tpu.memory_space<any>> -> memref<1x1024xf32, #tpu.memory_space<any>>
      tpu.enqueue_dma source(%dma_start3A_369 : memref<1x1024xf32, #tpu.memory_space<any>>) target(%dma_start3A_367 : memref<1x1024xf32, #tpu.memory_space<vmem>>) target_semaphore(%dma_start3A_364 : memref<!tpu.dma_semaphore, #tpu.memory_space<semaphore_mem>>)
      %get3A_370 = arith.constant 3840 : index
      %get3A_371 = memref.load %arg1[%get3A_370] : memref<4096xi32, #tpu.memory_space<smem>>
      %dma_start3A_372 = arith.constant 15 : i32
      %dma_start3A_373 = tpu.memref_slice %arg13[%dma_start3A_372] : memref<16x!tpu.dma_semaphore, #tpu.memory_space<semaphore_mem>> -> memref<1x!tpu.dma_semaphore, #tpu.memory_space<semaphore_mem>>
      %dma_start3A_374 = tpu.memref_squeeze %dma_start3A_373 : memref<1x!tpu.dma_semaphore, #tpu.memory_space<semaphore_mem>> -> memref<!tpu.dma_semaphore, #tpu.memory_space<semaphore_mem>>
      %dma_start3A_375 = arith.constant 15 : i32
      %dma_start3A_376 = arith.constant 0 : i32
      %dma_start3A_377 = tpu.memref_slice %arg9[%dma_start3A_375, %dma_start3A_376] : memref<16x1024xf32, #tpu.memory_space<vmem>> -> memref<1x1024xf32, #tpu.memory_space<vmem>>
      %dma_start3A_378 = arith.constant 0 : i32
      %dma_start3A_379 = tpu.memref_slice %arg3[%get3A_371, %dma_start3A_378] : memref<4096x1024xf32, #tpu.memory_space<any>> -> memref<1x1024xf32, #tpu.memory_space<any>>
      tpu.enqueue_dma source(%dma_start3A_379 : memref<1x1024xf32, #tpu.memory_space<any>>) target(%dma_start3A_377 : memref<1x1024xf32, #tpu.memory_space<vmem>>) target_semaphore(%dma_start3A_374 : memref<!tpu.dma_semaphore, #tpu.memory_space<semaphore_mem>>)
      %dma_wait3A = arith.constant 0 : i32
      %dma_wait3A_380 = tpu.memref_slice %arg13[%dma_wait3A] : memref<16x!tpu.dma_semaphore, #tpu.memory_space<semaphore_mem>> -> memref<1x!tpu.dma_semaphore, #tpu.memory_space<semaphore_mem>>
      %dma_wait3A_381 = tpu.memref_squeeze %dma_wait3A_380 : memref<1x!tpu.dma_semaphore, #tpu.memory_space<semaphore_mem>> -> memref<!tpu.dma_semaphore, #tpu.memory_space<semaphore_mem>>
      %dma_wait3A_382 = arith.constant 0 : i32
      %dma_wait3A_383 = arith.constant 0 : i32
      %dma_wait3A_384 = tpu.memref_slice %arg9[%dma_wait3A_382, %dma_wait3A_383] : memref<16x1024xf32, #tpu.memory_space<vmem>> -> memref<1x1024xf32, #tpu.memory_space<vmem>>
      %dma_wait3A_385 = arith.constant 0 : i32
      %dma_wait3A_386 = tpu.memref_slice %arg3[%get3A_222, %dma_wait3A_385] : memref<4096x1024xf32, #tpu.memory_space<any>> -> memref<1x1024xf32, #tpu.memory_space<any>>
      tpu.wait_dma2 semaphore(%dma_wait3A_381 : memref<!tpu.dma_semaphore, #tpu.memory_space<semaphore_mem>>) src(%dma_wait3A_386 : memref<1x1024xf32, #tpu.memory_space<any>>) dst(%dma_wait3A_384 : memref<1x1024xf32, #tpu.memory_space<vmem>>)
      %dma_wait3A_387 = arith.constant 1 : i32
      %dma_wait3A_388 = tpu.memref_slice %arg13[%dma_wait3A_387] : memref<16x!tpu.dma_semaphore, #tpu.memory_space<semaphore_mem>> -> memref<1x!tpu.dma_semaphore, #tpu.memory_space<semaphore_mem>>
      %dma_wait3A_389 = tpu.memref_squeeze %dma_wait3A_388 : memref<1x!tpu.dma_semaphore, #tpu.memory_space<semaphore_mem>> -> memref<!tpu.dma_semaphore, #tpu.memory_space<semaphore_mem>>
      %dma_wait3A_390 = arith.constant 1 : i32
      %dma_wait3A_391 = arith.constant 0 : i32
      %dma_wait3A_392 = tpu.memref_slice %arg9[%dma_wait3A_390, %dma_wait3A_391] : memref<16x1024xf32, #tpu.memory_space<vmem>> -> memref<1x1024xf32, #tpu.memory_space<vmem>>
      %dma_wait3A_393 = arith.constant 0 : i32
      %dma_wait3A_394 = tpu.memref_slice %arg3[%get3A_231, %dma_wait3A_393] : memref<4096x1024xf32, #tpu.memory_space<any>> -> memref<1x1024xf32, #tpu.memory_space<any>>
      tpu.wait_dma2 semaphore(%dma_wait3A_389 : memref<!tpu.dma_semaphore, #tpu.memory_space<semaphore_mem>>) src(%dma_wait3A_394 : memref<1x1024xf32, #tpu.memory_space<any>>) dst(%dma_wait3A_392 : memref<1x1024xf32, #tpu.memory_space<vmem>>)
      %dma_wait3A_395 = arith.constant 2 : i32
      %dma_wait3A_396 = tpu.memref_slice %arg13[%dma_wait3A_395] : memref<16x!tpu.dma_semaphore, #tpu.memory_space<semaphore_mem>> -> memref<1x!tpu.dma_semaphore, #tpu.memory_space<semaphore_mem>>
      %dma_wait3A_397 = tpu.memref_squeeze %dma_wait3A_396 : memref<1x!tpu.dma_semaphore, #tpu.memory_space<semaphore_mem>> -> memref<!tpu.dma_semaphore, #tpu.memory_space<semaphore_mem>>
      %dma_wait3A_398 = arith.constant 2 : i32
      %dma_wait3A_399 = arith.constant 0 : i32
      %dma_wait3A_400 = tpu.memref_slice %arg9[%dma_wait3A_398, %dma_wait3A_399] : memref<16x1024xf32, #tpu.memory_space<vmem>> -> memref<1x1024xf32, #tpu.memory_space<vmem>>
      %dma_wait3A_401 = arith.constant 0 : i32
      %dma_wait3A_402 = tpu.memref_slice %arg3[%get3A_241, %dma_wait3A_401] : memref<4096x1024xf32, #tpu.memory_space<any>> -> memref<1x1024xf32, #tpu.memory_space<any>>
      tpu.wait_dma2 semaphore(%dma_wait3A_397 : memref<!tpu.dma_semaphore, #tpu.memory_space<semaphore_mem>>) src(%dma_wait3A_402 : memref<1x1024xf32, #tpu.memory_space<any>>) dst(%dma_wait3A_400 : memref<1x1024xf32, #tpu.memory_space<vmem>>)
      %dma_wait3A_403 = arith.constant 3 : i32
      %dma_wait3A_404 = tpu.memref_slice %arg13[%dma_wait3A_403] : memref<16x!tpu.dma_semaphore, #tpu.memory_space<semaphore_mem>> -> memref<1x!tpu.dma_semaphore, #tpu.memory_space<semaphore_mem>>
      %dma_wait3A_405 = tpu.memref_squeeze %dma_wait3A_404 : memref<1x!tpu.dma_semaphore, #tpu.memory_space<semaphore_mem>> -> memref<!tpu.dma_semaphore, #tpu.memory_space<semaphore_mem>>
      %dma_wait3A_406 = arith.constant 3 : i32
      %dma_wait3A_407 = arith.constant 0 : i32
      %dma_wait3A_408 = tpu.memref_slice %arg9[%dma_wait3A_406, %dma_wait3A_407] : memref<16x1024xf32, #tpu.memory_space<vmem>> -> memref<1x1024xf32, #tpu.memory_space<vmem>>
      %dma_wait3A_409 = arith.constant 0 : i32
      %dma_wait3A_410 = tpu.memref_slice %arg3[%get3A_251, %dma_wait3A_409] : memref<4096x1024xf32, #tpu.memory_space<any>> -> memref<1x1024xf32, #tpu.memory_space<any>>
      tpu.wait_dma2 semaphore(%dma_wait3A_405 : memref<!tpu.dma_semaphore, #tpu.memory_space<semaphore_mem>>) src(%dma_wait3A_410 : memref<1x1024xf32, #tpu.memory_space<any>>) dst(%dma_wait3A_408 : memref<1x1024xf32, #tpu.memory_space<vmem>>)
      %dma_wait3A_411 = arith.constant 4 : i32
      %dma_wait3A_412 = tpu.memref_slice %arg13[%dma_wait3A_411] : memref<16x!tpu.dma_semaphore, #tpu.memory_space<semaphore_mem>> -> memref<1x!tpu.dma_semaphore, #tpu.memory_space<semaphore_mem>>
      %dma_wait3A_413 = tpu.memref_squeeze %dma_wait3A_412 : memref<1x!tpu.dma_semaphore, #tpu.memory_space<semaphore_mem>> -> memref<!tpu.dma_semaphore, #tpu.memory_space<semaphore_mem>>
      %dma_wait3A_414 = arith.constant 4 : i32
      %dma_wait3A_415 = arith.constant 0 : i32
      %dma_wait3A_416 = tpu.memref_slice %arg9[%dma_wait3A_414, %dma_wait3A_415] : memref<16x1024xf32, #tpu.memory_space<vmem>> -> memref<1x1024xf32, #tpu.memory_space<vmem>>
      %dma_wait3A_417 = arith.constant 0 : i32
      %dma_wait3A_418 = tpu.memref_slice %arg3[%get3A_261, %dma_wait3A_417] : memref<4096x1024xf32, #tpu.memory_space<any>> -> memref<1x1024xf32, #tpu.memory_space<any>>
      tpu.wait_dma2 semaphore(%dma_wait3A_413 : memref<!tpu.dma_semaphore, #tpu.memory_space<semaphore_mem>>) src(%dma_wait3A_418 : memref<1x1024xf32, #tpu.memory_space<any>>) dst(%dma_wait3A_416 : memref<1x1024xf32, #tpu.memory_space<vmem>>)
      %dma_wait3A_419 = arith.constant 5 : i32
      %dma_wait3A_420 = tpu.memref_slice %arg13[%dma_wait3A_419] : memref<16x!tpu.dma_semaphore, #tpu.memory_space<semaphore_mem>> -> memref<1x!tpu.dma_semaphore, #tpu.memory_space<semaphore_mem>>
      %dma_wait3A_421 = tpu.memref_squeeze %dma_wait3A_420 : memref<1x!tpu.dma_semaphore, #tpu.memory_space<semaphore_mem>> -> memref<!tpu.dma_semaphore, #tpu.memory_space<semaphore_mem>>
      %dma_wait3A_422 = arith.constant 5 : i32
      %dma_wait3A_423 = arith.constant 0 : i32
      %dma_wait3A_424 = tpu.memref_slice %arg9[%dma_wait3A_422, %dma_wait3A_423] : memref<16x1024xf32, #tpu.memory_space<vmem>> -> memref<1x1024xf32, #tpu.memory_space<vmem>>
      %dma_wait3A_425 = arith.constant 0 : i32
      %dma_wait3A_426 = tpu.memref_slice %arg3[%get3A_271, %dma_wait3A_425] : memref<4096x1024xf32, #tpu.memory_space<any>> -> memref<1x1024xf32, #tpu.memory_space<any>>
      tpu.wait_dma2 semaphore(%dma_wait3A_421 : memref<!tpu.dma_semaphore, #tpu.memory_space<semaphore_mem>>) src(%dma_wait3A_426 : memref<1x1024xf32, #tpu.memory_space<any>>) dst(%dma_wait3A_424 : memref<1x1024xf32, #tpu.memory_space<vmem>>)
      %dma_wait3A_427 = arith.constant 6 : i32
      %dma_wait3A_428 = tpu.memref_slice %arg13[%dma_wait3A_427] : memref<16x!tpu.dma_semaphore, #tpu.memory_space<semaphore_mem>> -> memref<1x!tpu.dma_semaphore, #tpu.memory_space<semaphore_mem>>
      %dma_wait3A_429 = tpu.memref_squeeze %dma_wait3A_428 : memref<1x!tpu.dma_semaphore, #tpu.memory_space<semaphore_mem>> -> memref<!tpu.dma_semaphore, #tpu.memory_space<semaphore_mem>>
      %dma_wait3A_430 = arith.constant 6 : i32
      %dma_wait3A_431 = arith.constant 0 : i32
      %dma_wait3A_432 = tpu.memref_slice %arg9[%dma_wait3A_430, %dma_wait3A_431] : memref<16x1024xf32, #tpu.memory_space<vmem>> -> memref<1x1024xf32, #tpu.memory_space<vmem>>
      %dma_wait3A_433 = arith.constant 0 : i32
      %dma_wait3A_434 = tpu.memref_slice %arg3[%get3A_281, %dma_wait3A_433] : memref<4096x1024xf32, #tpu.memory_space<any>> -> memref<1x1024xf32, #tpu.memory_space<any>>
      tpu.wait_dma2 semaphore(%dma_wait3A_429 : memref<!tpu.dma_semaphore, #tpu.memory_space<semaphore_mem>>) src(%dma_wait3A_434 : memref<1x1024xf32, #tpu.memory_space<any>>) dst(%dma_wait3A_432 : memref<1x1024xf32, #tpu.memory_space<vmem>>)
      %dma_wait3A_435 = arith.constant 7 : i32
      %dma_wait3A_436 = tpu.memref_slice %arg13[%dma_wait3A_435] : memref<16x!tpu.dma_semaphore, #tpu.memory_space<semaphore_mem>> -> memref<1x!tpu.dma_semaphore, #tpu.memory_space<semaphore_mem>>
      %dma_wait3A_437 = tpu.memref_squeeze %dma_wait3A_436 : memref<1x!tpu.dma_semaphore, #tpu.memory_space<semaphore_mem>> -> memref<!tpu.dma_semaphore, #tpu.memory_space<semaphore_mem>>
      %dma_wait3A_438 = arith.constant 7 : i32
      %dma_wait3A_439 = arith.constant 0 : i32
      %dma_wait3A_440 = tpu.memref_slice %arg9[%dma_wait3A_438, %dma_wait3A_439] : memref<16x1024xf32, #tpu.memory_space<vmem>> -> memref<1x1024xf32, #tpu.memory_space<vmem>>
      %dma_wait3A_441 = arith.constant 0 : i32
      %dma_wait3A_442 = tpu.memref_slice %arg3[%get3A_291, %dma_wait3A_441] : memref<4096x1024xf32, #tpu.memory_space<any>> -> memref<1x1024xf32, #tpu.memory_space<any>>
      tpu.wait_dma2 semaphore(%dma_wait3A_437 : memref<!tpu.dma_semaphore, #tpu.memory_space<semaphore_mem>>) src(%dma_wait3A_442 : memref<1x1024xf32, #tpu.memory_space<any>>) dst(%dma_wait3A_440 : memref<1x1024xf32, #tpu.memory_space<vmem>>)
      %dma_wait3A_443 = arith.constant 8 : i32
      %dma_wait3A_444 = tpu.memref_slice %arg13[%dma_wait3A_443] : memref<16x!tpu.dma_semaphore, #tpu.memory_space<semaphore_mem>> -> memref<1x!tpu.dma_semaphore, #tpu.memory_space<semaphore_mem>>
      %dma_wait3A_445 = tpu.memref_squeeze %dma_wait3A_444 : memref<1x!tpu.dma_semaphore, #tpu.memory_space<semaphore_mem>> -> memref<!tpu.dma_semaphore, #tpu.memory_space<semaphore_mem>>
      %dma_wait3A_446 = arith.constant 8 : i32
      %dma_wait3A_447 = arith.constant 0 : i32
      %dma_wait3A_448 = tpu.memref_slice %arg9[%dma_wait3A_446, %dma_wait3A_447] : memref<16x1024xf32, #tpu.memory_space<vmem>> -> memref<1x1024xf32, #tpu.memory_space<vmem>>
      %dma_wait3A_449 = arith.constant 0 : i32
      %dma_wait3A_450 = tpu.memref_slice %arg3[%get3A_301, %dma_wait3A_449] : memref<4096x1024xf32, #tpu.memory_space<any>> -> memref<1x1024xf32, #tpu.memory_space<any>>
      tpu.wait_dma2 semaphore(%dma_wait3A_445 : memref<!tpu.dma_semaphore, #tpu.memory_space<semaphore_mem>>) src(%dma_wait3A_450 : memref<1x1024xf32, #tpu.memory_space<any>>) dst(%dma_wait3A_448 : memref<1x1024xf32, #tpu.memory_space<vmem>>)
      %dma_wait3A_451 = arith.constant 9 : i32
      %dma_wait3A_452 = tpu.memref_slice %arg13[%dma_wait3A_451] : memref<16x!tpu.dma_semaphore, #tpu.memory_space<semaphore_mem>> -> memref<1x!tpu.dma_semaphore, #tpu.memory_space<semaphore_mem>>
      %dma_wait3A_453 = tpu.memref_squeeze %dma_wait3A_452 : memref<1x!tpu.dma_semaphore, #tpu.memory_space<semaphore_mem>> -> memref<!tpu.dma_semaphore, #tpu.memory_space<semaphore_mem>>
      %dma_wait3A_454 = arith.constant 9 : i32
      %dma_wait3A_455 = arith.constant 0 : i32
      %dma_wait3A_456 = tpu.memref_slice %arg9[%dma_wait3A_454, %dma_wait3A_455] : memref<16x1024xf32, #tpu.memory_space<vmem>> -> memref<1x1024xf32, #tpu.memory_space<vmem>>
      %dma_wait3A_457 = arith.constant 0 : i32
      %dma_wait3A_458 = tpu.memref_slice %arg3[%get3A_311, %dma_wait3A_457] : memref<4096x1024xf32, #tpu.memory_space<any>> -> memref<1x1024xf32, #tpu.memory_space<any>>
      tpu.wait_dma2 semaphore(%dma_wait3A_453 : memref<!tpu.dma_semaphore, #tpu.memory_space<semaphore_mem>>) src(%dma_wait3A_458 : memref<1x1024xf32, #tpu.memory_space<any>>) dst(%dma_wait3A_456 : memref<1x1024xf32, #tpu.memory_space<vmem>>)
      %dma_wait3A_459 = arith.constant 10 : i32
      %dma_wait3A_460 = tpu.memref_slice %arg13[%dma_wait3A_459] : memref<16x!tpu.dma_semaphore, #tpu.memory_space<semaphore_mem>> -> memref<1x!tpu.dma_semaphore, #tpu.memory_space<semaphore_mem>>
      %dma_wait3A_461 = tpu.memref_squeeze %dma_wait3A_460 : memref<1x!tpu.dma_semaphore, #tpu.memory_space<semaphore_mem>> -> memref<!tpu.dma_semaphore, #tpu.memory_space<semaphore_mem>>
      %dma_wait3A_462 = arith.constant 10 : i32
      %dma_wait3A_463 = arith.constant 0 : i32
      %dma_wait3A_464 = tpu.memref_slice %arg9[%dma_wait3A_462, %dma_wait3A_463] : memref<16x1024xf32, #tpu.memory_space<vmem>> -> memref<1x1024xf32, #tpu.memory_space<vmem>>
      %dma_wait3A_465 = arith.constant 0 : i32
      %dma_wait3A_466 = tpu.memref_slice %arg3[%get3A_321, %dma_wait3A_465] : memref<4096x1024xf32, #tpu.memory_space<any>> -> memref<1x1024xf32, #tpu.memory_space<any>>
      tpu.wait_dma2 semaphore(%dma_wait3A_461 : memref<!tpu.dma_semaphore, #tpu.memory_space<semaphore_mem>>) src(%dma_wait3A_466 : memref<1x1024xf32, #tpu.memory_space<any>>) dst(%dma_wait3A_464 : memref<1x1024xf32, #tpu.memory_space<vmem>>)
      %dma_wait3A_467 = arith.constant 11 : i32
      %dma_wait3A_468 = tpu.memref_slice %arg13[%dma_wait3A_467] : memref<16x!tpu.dma_semaphore, #tpu.memory_space<semaphore_mem>> -> memref<1x!tpu.dma_semaphore, #tpu.memory_space<semaphore_mem>>
      %dma_wait3A_469 = tpu.memref_squeeze %dma_wait3A_468 : memref<1x!tpu.dma_semaphore, #tpu.memory_space<semaphore_mem>> -> memref<!tpu.dma_semaphore, #tpu.memory_space<semaphore_mem>>
      %dma_wait3A_470 = arith.constant 11 : i32
      %dma_wait3A_471 = arith.constant 0 : i32
      %dma_wait3A_472 = tpu.memref_slice %arg9[%dma_wait3A_470, %dma_wait3A_471] : memref<16x1024xf32, #tpu.memory_space<vmem>> -> memref<1x1024xf32, #tpu.memory_space<vmem>>
      %dma_wait3A_473 = arith.constant 0 : i32
      %dma_wait3A_474 = tpu.memref_slice %arg3[%get3A_331, %dma_wait3A_473] : memref<4096x1024xf32, #tpu.memory_space<any>> -> memref<1x1024xf32, #tpu.memory_space<any>>
      tpu.wait_dma2 semaphore(%dma_wait3A_469 : memref<!tpu.dma_semaphore, #tpu.memory_space<semaphore_mem>>) src(%dma_wait3A_474 : memref<1x1024xf32, #tpu.memory_space<any>>) dst(%dma_wait3A_472 : memref<1x1024xf32, #tpu.memory_space<vmem>>)
      %dma_wait3A_475 = arith.constant 12 : i32
      %dma_wait3A_476 = tpu.memref_slice %arg13[%dma_wait3A_475] : memref<16x!tpu.dma_semaphore, #tpu.memory_space<semaphore_mem>> -> memref<1x!tpu.dma_semaphore, #tpu.memory_space<semaphore_mem>>
      %dma_wait3A_477 = tpu.memref_squeeze %dma_wait3A_476 : memref<1x!tpu.dma_semaphore, #tpu.memory_space<semaphore_mem>> -> memref<!tpu.dma_semaphore, #tpu.memory_space<semaphore_mem>>
      %dma_wait3A_478 = arith.constant 12 : i32
      %dma_wait3A_479 = arith.constant 0 : i32
      %dma_wait3A_480 = tpu.memref_slice %arg9[%dma_wait3A_478, %dma_wait3A_479] : memref<16x1024xf32, #tpu.memory_space<vmem>> -> memref<1x1024xf32, #tpu.memory_space<vmem>>
      %dma_wait3A_481 = arith.constant 0 : i32
      %dma_wait3A_482 = tpu.memref_slice %arg3[%get3A_341, %dma_wait3A_481] : memref<4096x1024xf32, #tpu.memory_space<any>> -> memref<1x1024xf32, #tpu.memory_space<any>>
      tpu.wait_dma2 semaphore(%dma_wait3A_477 : memref<!tpu.dma_semaphore, #tpu.memory_space<semaphore_mem>>) src(%dma_wait3A_482 : memref<1x1024xf32, #tpu.memory_space<any>>) dst(%dma_wait3A_480 : memref<1x1024xf32, #tpu.memory_space<vmem>>)
      %dma_wait3A_483 = arith.constant 13 : i32
      %dma_wait3A_484 = tpu.memref_slice %arg13[%dma_wait3A_483] : memref<16x!tpu.dma_semaphore, #tpu.memory_space<semaphore_mem>> -> memref<1x!tpu.dma_semaphore, #tpu.memory_space<semaphore_mem>>
      %dma_wait3A_485 = tpu.memref_squeeze %dma_wait3A_484 : memref<1x!tpu.dma_semaphore, #tpu.memory_space<semaphore_mem>> -> memref<!tpu.dma_semaphore, #tpu.memory_space<semaphore_mem>>
      %dma_wait3A_486 = arith.constant 13 : i32
      %dma_wait3A_487 = arith.constant 0 : i32
      %dma_wait3A_488 = tpu.memref_slice %arg9[%dma_wait3A_486, %dma_wait3A_487] : memref<16x1024xf32, #tpu.memory_space<vmem>> -> memref<1x1024xf32, #tpu.memory_space<vmem>>
      %dma_wait3A_489 = arith.constant 0 : i32
      %dma_wait3A_490 = tpu.memref_slice %arg3[%get3A_351, %dma_wait3A_489] : memref<4096x1024xf32, #tpu.memory_space<any>> -> memref<1x1024xf32, #tpu.memory_space<any>>
      tpu.wait_dma2 semaphore(%dma_wait3A_485 : memref<!tpu.dma_semaphore, #tpu.memory_space<semaphore_mem>>) src(%dma_wait3A_490 : memref<1x1024xf32, #tpu.memory_space<any>>) dst(%dma_wait3A_488 : memref<1x1024xf32, #tpu.memory_space<vmem>>)
      %dma_wait3A_491 = arith.constant 14 : i32
      %dma_wait3A_492 = tpu.memref_slice %arg13[%dma_wait3A_491] : memref<16x!tpu.dma_semaphore, #tpu.memory_space<semaphore_mem>> -> memref<1x!tpu.dma_semaphore, #tpu.memory_space<semaphore_mem>>
      %dma_wait3A_493 = tpu.memref_squeeze %dma_wait3A_492 : memref<1x!tpu.dma_semaphore, #tpu.memory_space<semaphore_mem>> -> memref<!tpu.dma_semaphore, #tpu.memory_space<semaphore_mem>>
      %dma_wait3A_494 = arith.constant 14 : i32
      %dma_wait3A_495 = arith.constant 0 : i32
      %dma_wait3A_496 = tpu.memref_slice %arg9[%dma_wait3A_494, %dma_wait3A_495] : memref<16x1024xf32, #tpu.memory_space<vmem>> -> memref<1x1024xf32, #tpu.memory_space<vmem>>
      %dma_wait3A_497 = arith.constant 0 : i32
      %dma_wait3A_498 = tpu.memref_slice %arg3[%get3A_361, %dma_wait3A_497] : memref<4096x1024xf32, #tpu.memory_space<any>> -> memref<1x1024xf32, #tpu.memory_space<any>>
      tpu.wait_dma2 semaphore(%dma_wait3A_493 : memref<!tpu.dma_semaphore, #tpu.memory_space<semaphore_mem>>) src(%dma_wait3A_498 : memref<1x1024xf32, #tpu.memory_space<any>>) dst(%dma_wait3A_496 : memref<1x1024xf32, #tpu.memory_space<vmem>>)
      %dma_wait3A_499 = arith.constant 15 : i32
      %dma_wait3A_500 = tpu.memref_slice %arg13[%dma_wait3A_499] : memref<16x!tpu.dma_semaphore, #tpu.memory_space<semaphore_mem>> -> memref<1x!tpu.dma_semaphore, #tpu.memory_space<semaphore_mem>>
      %dma_wait3A_501 = tpu.memref_squeeze %dma_wait3A_500 : memref<1x!tpu.dma_semaphore, #tpu.memory_space<semaphore_mem>> -> memref<!tpu.dma_semaphore, #tpu.memory_space<semaphore_mem>>
      %dma_wait3A_502 = arith.constant 15 : i32
      %dma_wait3A_503 = arith.constant 0 : i32
      %dma_wait3A_504 = tpu.memref_slice %arg9[%dma_wait3A_502, %dma_wait3A_503] : memref<16x1024xf32, #tpu.memory_space<vmem>> -> memref<1x1024xf32, #tpu.memory_space<vmem>>
      %dma_wait3A_505 = arith.constant 0 : i32
      %dma_wait3A_506 = tpu.memref_slice %arg3[%get3A_371, %dma_wait3A_505] : memref<4096x1024xf32, #tpu.memory_space<any>> -> memref<1x1024xf32, #tpu.memory_space<any>>
      tpu.wait_dma2 semaphore(%dma_wait3A_501 : memref<!tpu.dma_semaphore, #tpu.memory_space<semaphore_mem>>) src(%dma_wait3A_506 : memref<1x1024xf32, #tpu.memory_space<any>>) dst(%dma_wait3A_504 : memref<1x1024xf32, #tpu.memory_space<vmem>>)
      %get3A_507 = arith.constant 0 : index
      %get3A_508 = arith.constant 0 : index
      %get3A_509 = vector.load %arg9[%get3A_507, %get3A_508] : memref<16x1024xf32, #tpu.memory_space<vmem>>, vector<16x1024xf32>
      %get3A_510 = arith.constant 0 : index
      %get3A_511 = arith.constant 0 : index
      %get3A_512 = vector.load %arg5[%get3A_510, %get3A_511] : memref<1024x1024xf32, #tpu.memory_space<vmem>>, vector<1024x1024xf32>
      %dot_general3A_513 = arith.constant dense<0.000000e+00> : vector<16x1024xf32>
      %dot_general3A_514 = tpu.matmul %get3A_509, %get3A_512, %dot_general3A_513 {dimension_numbers = #tpu.dot_dimension_numbers<[1], [1], [0], [0], [0, 0, 1, 0], [], []>, transpose_lhs_hint = false} : vector<16x1024xf32>, vector<1024x1024xf32>, vector<16x1024xf32> -> vector<16x1024xf32>
      %get3A_515 = arith.constant 0 : index
      %get3A_516 = arith.constant 0 : index
      %get3A_517 = vector.load %arg6[%get3A_515, %get3A_516] : memref<1024x1024xf32, #tpu.memory_space<vmem>>, vector<1024x1024xf32>
      %dot_general3A_518 = arith.constant dense<0.000000e+00> : vector<16x1024xf32>
      %dot_general3A_519 = tpu.matmul %get3A_509, %get3A_517, %dot_general3A_518 {dimension_numbers = #tpu.dot_dimension_numbers<[1], [1], [0], [0], [0, 0, 1, 0], [], []>, transpose_lhs_hint = false} : vector<16x1024xf32>, vector<1024x1024xf32>, vector<16x1024xf32> -> vector<16x1024xf32>
      %iota3A = tpu.iota {dimensions = array<i32: 0>} : vector<256x16xi32>
      %jit3A = arith.constant 16 : i32
      %div3A_520 = vector.broadcast %jit3A : i32 to vector<256x16xi32>
      %div3A_521 = arith.divsi %iota3A, %div3A_520 : vector<256x16xi32>
      %sign3A = arith.constant 0 : i32
      %sign3A_522 = vector.broadcast %sign3A : i32 to vector<256x16xi32>
      %sign3A_523 = arith.cmpi sgt, %iota3A, %sign3A_522 : vector<256x16xi32>
      %sign3A_524 = arith.extui %sign3A_523 : vector<256x16xi1> to vector<256x16xi32>
      %sign3A_525 = arith.constant 0 : i32
      %sign3A_526 = vector.broadcast %sign3A_525 : i32 to vector<256x16xi32>
      %sign3A_527 = arith.cmpi slt, %iota3A, %sign3A_526 : vector<256x16xi32>
      %sign3A_528 = arith.extui %sign3A_527 : vector<256x16xi1> to vector<256x16xi32>
      %sign3A_529 = arith.subi %sign3A_524, %sign3A_528 : vector<256x16xi32>
      %sign3A_530 = arith.constant 0 : i32
      %sign3A_531 = arith.cmpi sgt, %jit3A, %sign3A_530 : i32
      %sign3A_532 = arith.extui %sign3A_531 : i1 to i32
      %sign3A_533 = arith.constant 0 : i32
      %sign3A_534 = arith.cmpi slt, %jit3A, %sign3A_533 : i32
      %sign3A_535 = arith.extui %sign3A_534 : i1 to i32
      %sign3A_536 = arith.subi %sign3A_532, %sign3A_535 : i32
      %ne3A = vector.broadcast %sign3A_536 : i32 to vector<256x16xi32>
      %ne3A_537 = arith.cmpi ne, %sign3A_529, %ne3A : vector<256x16xi32>
      %rem3A = vector.broadcast %jit3A : i32 to vector<256x16xi32>
      %rem3A_538 = arith.remsi %iota3A, %rem3A : vector<256x16xi32>
      %ne3A_539 = arith.constant 0 : i32
      %ne3A_540 = vector.broadcast %ne3A_539 : i32 to vector<256x16xi32>
      %ne3A_541 = arith.cmpi ne, %rem3A_538, %ne3A_540 : vector<256x16xi32>
      %and3A = arith.andi %ne3A_537, %ne3A_541 : vector<256x16xi1>
      %sub3A_542 = arith.constant 1 : i32
      %sub3A_543 = vector.broadcast %sub3A_542 : i32 to vector<256x16xi32>
      %sub3A_544 = arith.subi %div3A_521, %sub3A_543 : vector<256x16xi32>
      %select_n3A = arith.select %and3A, %sub3A_544, %div3A_521 : vector<256x16xi1>, vector<256x16xi32>
      %iota3A_545 = tpu.iota {dimensions = array<i32: 1>} : vector<256x16xi32>
      %eq3A_546 = arith.cmpi eq, %select_n3A, %iota3A_545 : vector<256x16xi32>
      %convert_element_type3A_547 = arith.extui %eq3A_546 : vector<256x16xi1> to vector<256x16xi32>
      %convert_element_type3A_548 = arith.sitofp %convert_element_type3A_547 : vector<256x16xi32> to vector<256x16xf32>
      %dot_general3A_549 = arith.constant dense<0.000000e+00> : vector<256x1024xf32>
      %dot_general3A_550 = tpu.matmul %convert_element_type3A_548, %dot_general3A_514, %dot_general3A_549 {dimension_numbers = #tpu.dot_dimension_numbers<[1], [0], [0], [1], [0, 0, 1, 1], [], []>, transpose_lhs_hint = false} : vector<256x16xf32>, vector<16x1024xf32>, vector<256x1024xf32> -> vector<256x1024xf32>
      %dot_general3A_551 = arith.constant dense<0.000000e+00> : vector<256x1024xf32>
      %dot_general3A_552 = tpu.matmul %convert_element_type3A_548, %dot_general3A_519, %dot_general3A_551 {dimension_numbers = #tpu.dot_dimension_numbers<[1], [0], [0], [1], [0, 0, 1, 1], [], []>, transpose_lhs_hint = false} : vector<256x16xf32>, vector<16x1024xf32>, vector<256x1024xf32> -> vector<256x1024xf32>
      %iota3A_553 = tpu.iota {dimensions = array<i32: 0>} : vector<256x1024xi32>
      %iota3A_554 = tpu.iota {dimensions = array<i32: 1>} : vector<256x1024xi32>
      %jit3A_555 = arith.constant 16 : i32
      %eq3A_556 = arith.constant 0 : i32
      %eq3A_557 = arith.cmpi eq, %jit3A_555, %eq3A_556 : i32
      %jit3A_558 = arith.constant 1 : i32
      %select_n3A_559 = arith.select %eq3A_557, %jit3A_558, %jit3A_555 : i32
      %rem3A_560 = vector.broadcast %select_n3A_559 : i32 to vector<256x1024xi32>
      %rem3A_561 = arith.remsi %iota3A_553, %rem3A_560 : vector<256x1024xi32>
      %ne3A_562 = arith.constant 0 : i32
      %ne3A_563 = vector.broadcast %ne3A_562 : i32 to vector<256x1024xi32>
      %ne3A_564 = arith.cmpi ne, %rem3A_561, %ne3A_563 : vector<256x1024xi32>
      %lt3A = arith.constant 0 : i32
      %lt3A_565 = vector.broadcast %lt3A : i32 to vector<256x1024xi32>
      %lt3A_566 = arith.cmpi slt, %rem3A_561, %lt3A_565 : vector<256x1024xi32>
      %lt3A_567 = arith.constant 0 : i32
      %lt3A_568 = arith.cmpi slt, %select_n3A_559, %lt3A_567 : i32
      %ne3A_569 = vector.broadcast %lt3A_568 : i1 to vector<256x1024xi1>
      %ne3A_570 = vector.broadcast %ne3A_569 : vector<256x1024xi1> to vector<256x1024xi1>
      %ne3A_571 = arith.xori %lt3A_566, %ne3A_570 : vector<256x1024xi1>
      %and3A_572 = arith.andi %ne3A_571, %ne3A_564 : vector<256x1024xi1>
      %add3A_573 = vector.broadcast %select_n3A_559 : i32 to vector<256x1024xi32>
      %add3A_574 = arith.addi %rem3A_561, %add3A_573 : vector<256x1024xi32>
      %select_n3A_575 = arith.select %and3A_572, %add3A_574, %rem3A_561 : vector<256x1024xi1>, vector<256x1024xi32>
      %jit3A_576 = arith.constant 64 : i32
      %div3A_577 = vector.broadcast %jit3A_576 : i32 to vector<256x1024xi32>
      %div3A_578 = arith.divsi %iota3A_554, %div3A_577 : vector<256x1024xi32>
      %sign3A_579 = arith.constant 0 : i32
      %sign3A_580 = vector.broadcast %sign3A_579 : i32 to vector<256x1024xi32>
      %sign3A_581 = arith.cmpi sgt, %iota3A_554, %sign3A_580 : vector<256x1024xi32>
      %sign3A_582 = arith.extui %sign3A_581 : vector<256x1024xi1> to vector<256x1024xi32>
      %sign3A_583 = arith.constant 0 : i32
      %sign3A_584 = vector.broadcast %sign3A_583 : i32 to vector<256x1024xi32>
      %sign3A_585 = arith.cmpi slt, %iota3A_554, %sign3A_584 : vector<256x1024xi32>
      %sign3A_586 = arith.extui %sign3A_585 : vector<256x1024xi1> to vector<256x1024xi32>
      %sign3A_587 = arith.subi %sign3A_582, %sign3A_586 : vector<256x1024xi32>
      %sign3A_588 = arith.constant 0 : i32
      %sign3A_589 = arith.cmpi sgt, %jit3A_576, %sign3A_588 : i32
      %sign3A_590 = arith.extui %sign3A_589 : i1 to i32
      %sign3A_591 = arith.constant 0 : i32
      %sign3A_592 = arith.cmpi slt, %jit3A_576, %sign3A_591 : i32
      %sign3A_593 = arith.extui %sign3A_592 : i1 to i32
      %sign3A_594 = arith.subi %sign3A_590, %sign3A_593 : i32
      %ne3A_595 = vector.broadcast %sign3A_594 : i32 to vector<256x1024xi32>
      %ne3A_596 = arith.cmpi ne, %sign3A_587, %ne3A_595 : vector<256x1024xi32>
      %rem3A_597 = vector.broadcast %jit3A_576 : i32 to vector<256x1024xi32>
      %rem3A_598 = arith.remsi %iota3A_554, %rem3A_597 : vector<256x1024xi32>
      %ne3A_599 = arith.constant 0 : i32
      %ne3A_600 = vector.broadcast %ne3A_599 : i32 to vector<256x1024xi32>
      %ne3A_601 = arith.cmpi ne, %rem3A_598, %ne3A_600 : vector<256x1024xi32>
      %and3A_602 = arith.andi %ne3A_596, %ne3A_601 : vector<256x1024xi1>
      %sub3A_603 = arith.constant 1 : i32
      %sub3A_604 = vector.broadcast %sub3A_603 : i32 to vector<256x1024xi32>
      %sub3A_605 = arith.subi %div3A_578, %sub3A_604 : vector<256x1024xi32>
      %select_n3A_606 = arith.select %and3A_602, %sub3A_605, %div3A_578 : vector<256x1024xi1>, vector<256x1024xi32>
      %eq3A_607 = arith.cmpi eq, %select_n3A_575, %select_n3A_606 : vector<256x1024xi32>
      %mul3A_608 = arith.constant 1.250000e-01 : f32
      %mul3A_609 = vector.broadcast %mul3A_608 : f32 to vector<256x1024xf32>
      %mul3A_610 = arith.mulf %dot_general3A_550, %mul3A_609 : vector<256x1024xf32>
      %jit3A_611 = arith.constant 0.000000e+00 : f32
      %broadcast_in_dim3A = vector.broadcast %jit3A_611 : f32 to vector<256x1024xf32>
      %select_n3A_612 = arith.select %eq3A_607, %mul3A_610, %broadcast_in_dim3A : vector<256x1024xi1>, vector<256x1024xf32>
      %jit3A_613 = arith.constant 0.000000e+00 : f32
      %broadcast_in_dim3A_614 = vector.broadcast %jit3A_613 : f32 to vector<256x1024xf32>
      %select_n3A_615 = arith.select %eq3A_607, %dot_general3A_552, %broadcast_in_dim3A_614 : vector<256x1024xi1>, vector<256x1024xf32>
      %convert_element_type3A_616 = arith.truncf %select_n3A_612 : vector<256x1024xf32> to vector<256x1024xbf16>
      %swap3A_617 = arith.constant 0 : index
      %swap3A_618 = arith.constant 0 : index
      %swap3A_619 = vector.load %arg10[%swap3A_617, %swap3A_618] : memref<256x1024xbf16, #tpu.memory_space<vmem>>, vector<256x1024xbf16>
      tpu.vector_store %arg10[%swap3A_617, %swap3A_618], %convert_element_type3A_616 {strides = array<i32>} : memref<256x1024xbf16, #tpu.memory_space<vmem>>, vector<256x1024xbf16>,
      %get3A_620 = arith.constant 0 : index
      %get3A_621 = arith.constant 0 : index
      %get3A_622 = vector.load %arg7[%get3A_620, %get3A_621] : memref<1024x1024xf32, #tpu.memory_space<vmem>>, vector<1024x1024xf32>
      %dot_general3A_623 = arith.constant dense<0.000000e+00> : vector<256x1024xf32>
      %dot_general3A_624 = tpu.matmul %select_n3A_615, %get3A_622, %dot_general3A_623 {dimension_numbers = #tpu.dot_dimension_numbers<[1], [1], [0], [0], [0, 0, 1, 0], [], []>, precision = #tpu.contract_precision<fp32>, transpose_lhs_hint = false} : vector<256x1024xf32>, vector<1024x1024xf32>, vector<256x1024xf32> -> vector<256x1024xf32>
      %swap3A_625 = arith.constant 0 : index
      %swap3A_626 = arith.constant 0 : index
      %swap3A_627 = vector.load %arg11[%swap3A_625, %swap3A_626] : memref<256x1024xf32, #tpu.memory_space<vmem>>, vector<256x1024xf32>
      tpu.vector_store %arg11[%swap3A_625, %swap3A_626], %dot_general3A_624 {strides = array<i32>} : memref<256x1024xf32, #tpu.memory_space<vmem>>, vector<256x1024xf32>,
      %get3A_628 = arith.constant 0 : index
      %get3A_629 = arith.constant 0 : index
      %get3A_630 = vector.load %arg4[%get3A_628, %get3A_629] : memref<1024x1024xf32, #tpu.memory_space<vmem>>, vector<1024x1024xf32>
      %convert_element_type3A_631 = arith.truncf %get3A_630 : vector<1024x1024xf32> to vector<1024x1024xbf16>
      %swap3A_632 = arith.constant 0 : index
      %swap3A_633 = arith.constant 0 : index
      %swap3A_634 = vector.load %arg12[%swap3A_632, %swap3A_633] : memref<1024x1024xbf16, #tpu.memory_space<vmem>>, vector<1024x1024xbf16>
      tpu.vector_store %arg12[%swap3A_632, %swap3A_633], %convert_element_type3A_631 {strides = array<i32>} : memref<1024x1024xbf16, #tpu.memory_space<vmem>>, vector<1024x1024xbf16>,
    } else {
    }
    %get3A = arith.constant 0 : index
    %get3A_2 = arith.constant 0 : index
    %get3A_3 = vector.load %arg2[%get3A, %get3A_2] : memref<512x1024xf32, #tpu.memory_space<vmem>>, vector<512x1024xf32>
    %convert_element_type3A_4 = arith.truncf %get3A_3 : vector<512x1024xf32> to vector<512x1024xbf16>
    %get3A_5 = arith.constant 0 : index
    %get3A_6 = arith.constant 0 : index
    %get3A_7 = vector.load %arg12[%get3A_5, %get3A_6] : memref<1024x1024xbf16, #tpu.memory_space<vmem>>, vector<1024x1024xbf16>
    %dot_general3A = arith.constant dense<0.000000e+00> : vector<512x1024xf32>
    %dot_general3A_8 = tpu.matmul %convert_element_type3A_4, %get3A_7, %dot_general3A {dimension_numbers = #tpu.dot_dimension_numbers<[1], [1], [0], [0], [0, 0, 1, 0], [], []>, transpose_lhs_hint = false} : vector<512x1024xbf16>, vector<1024x1024xbf16>, vector<512x1024xf32> -> vector<512x1024xf32>
    %get3A_9 = arith.constant 0 : index
    %get3A_10 = arith.constant 0 : index
    %get3A_11 = vector.load %arg10[%get3A_9, %get3A_10] : memref<256x1024xbf16, #tpu.memory_space<vmem>>, vector<256x1024xbf16>
    %dot_general3A_12 = arith.constant dense<0.000000e+00> : vector<256x512xf32>
    %dot_general3A_13 = tpu.matmul %get3A_11, %dot_general3A_8, %dot_general3A_12 {dimension_numbers = #tpu.dot_dimension_numbers<[1], [1], [0], [0], [0, 0, 1, 0], [], []>, transpose_lhs_hint = false} : vector<256x1024xbf16>, vector<512x1024xf32>, vector<256x512xf32> -> vector<256x512xf32>
    %slice3A = vector.extract_strided_slice %dot_general3A_13 {offsets = [0, 0], sizes = [16, 512], strides = [1, 1]} : vector<256x512xf32> to vector<16x512xf32>
    %slice3A_14 = vector.extract_strided_slice %dot_general3A_13 {offsets = [16, 0], sizes = [16, 512], strides = [1, 1]} : vector<256x512xf32> to vector<16x512xf32>
    %slice3A_15 = vector.extract_strided_slice %dot_general3A_13 {offsets = [32, 0], sizes = [16, 512], strides = [1, 1]} : vector<256x512xf32> to vector<16x512xf32>
    %slice3A_16 = vector.extract_strided_slice %dot_general3A_13 {offsets = [48, 0], sizes = [16, 512], strides = [1, 1]} : vector<256x512xf32> to vector<16x512xf32>
    %slice3A_17 = vector.extract_strided_slice %dot_general3A_13 {offsets = [64, 0], sizes = [16, 512], strides = [1, 1]} : vector<256x512xf32> to vector<16x512xf32>
    %slice3A_18 = vector.extract_strided_slice %dot_general3A_13 {offsets = [80, 0], sizes = [16, 512], strides = [1, 1]} : vector<256x512xf32> to vector<16x512xf32>
    %slice3A_19 = vector.extract_strided_slice %dot_general3A_13 {offsets = [96, 0], sizes = [16, 512], strides = [1, 1]} : vector<256x512xf32> to vector<16x512xf32>
    %slice3A_20 = vector.extract_strided_slice %dot_general3A_13 {offsets = [112, 0], sizes = [16, 512], strides = [1, 1]} : vector<256x512xf32> to vector<16x512xf32>
    %slice3A_21 = vector.extract_strided_slice %dot_general3A_13 {offsets = [128, 0], sizes = [16, 512], strides = [1, 1]} : vector<256x512xf32> to vector<16x512xf32>
    %slice3A_22 = vector.extract_strided_slice %dot_general3A_13 {offsets = [144, 0], sizes = [16, 512], strides = [1, 1]} : vector<256x512xf32> to vector<16x512xf32>
    %slice3A_23 = vector.extract_strided_slice %dot_general3A_13 {offsets = [160, 0], sizes = [16, 512], strides = [1, 1]} : vector<256x512xf32> to vector<16x512xf32>
    %slice3A_24 = vector.extract_strided_slice %dot_general3A_13 {offsets = [176, 0], sizes = [16, 512], strides = [1, 1]} : vector<256x512xf32> to vector<16x512xf32>
    %slice3A_25 = vector.extract_strided_slice %dot_general3A_13 {offsets = [192, 0], sizes = [16, 512], strides = [1, 1]} : vector<256x512xf32> to vector<16x512xf32>
    %slice3A_26 = vector.extract_strided_slice %dot_general3A_13 {offsets = [208, 0], sizes = [16, 512], strides = [1, 1]} : vector<256x512xf32> to vector<16x512xf32>
    %slice3A_27 = vector.extract_strided_slice %dot_general3A_13 {offsets = [224, 0], sizes = [16, 512], strides = [1, 1]} : vector<256x512xf32> to vector<16x512xf32>
    %slice3A_28 = vector.extract_strided_slice %dot_general3A_13 {offsets = [240, 0], sizes = [16, 512], strides = [1, 1]} : vector<256x512xf32> to vector<16x512xf32>
    %max3A = arith.maximumf %slice3A, %slice3A_14 : vector<16x512xf32>
    %max3A_29 = arith.maximumf %max3A, %slice3A_15 : vector<16x512xf32>
    %max3A_30 = arith.maximumf %max3A_29, %slice3A_16 : vector<16x512xf32>
    %max3A_31 = arith.maximumf %max3A_30, %slice3A_17 : vector<16x512xf32>
    %max3A_32 = arith.maximumf %max3A_31, %slice3A_18 : vector<16x512xf32>
    %max3A_33 = arith.maximumf %max3A_32, %slice3A_19 : vector<16x512xf32>
    %max3A_34 = arith.maximumf %max3A_33, %slice3A_20 : vector<16x512xf32>
    %max3A_35 = arith.maximumf %max3A_34, %slice3A_21 : vector<16x512xf32>
    %max3A_36 = arith.maximumf %max3A_35, %slice3A_22 : vector<16x512xf32>
    %max3A_37 = arith.maximumf %max3A_36, %slice3A_23 : vector<16x512xf32>
    %max3A_38 = arith.maximumf %max3A_37, %slice3A_24 : vector<16x512xf32>
    %max3A_39 = arith.maximumf %max3A_38, %slice3A_25 : vector<16x512xf32>
    %max3A_40 = arith.maximumf %max3A_39, %slice3A_26 : vector<16x512xf32>
    %max3A_41 = arith.maximumf %max3A_40, %slice3A_27 : vector<16x512xf32>
    %max3A_42 = arith.maximumf %max3A_41, %slice3A_28 : vector<16x512xf32>
    %sub3A = arith.subf %slice3A, %max3A_42 : vector<16x512xf32>
    %exp3A = math.exp %sub3A : vector<16x512xf32>
    %sub3A_43 = arith.subf %slice3A_14, %max3A_42 : vector<16x512xf32>
    %exp3A_44 = math.exp %sub3A_43 : vector<16x512xf32>
    %sub3A_45 = arith.subf %slice3A_15, %max3A_42 : vector<16x512xf32>
    %exp3A_46 = math.exp %sub3A_45 : vector<16x512xf32>
    %sub3A_47 = arith.subf %slice3A_16, %max3A_42 : vector<16x512xf32>
    %exp3A_48 = math.exp %sub3A_47 : vector<16x512xf32>
    %sub3A_49 = arith.subf %slice3A_17, %max3A_42 : vector<16x512xf32>
    %exp3A_50 = math.exp %sub3A_49 : vector<16x512xf32>
    %sub3A_51 = arith.subf %slice3A_18, %max3A_42 : vector<16x512xf32>
    %exp3A_52 = math.exp %sub3A_51 : vector<16x512xf32>
    %sub3A_53 = arith.subf %slice3A_19, %max3A_42 : vector<16x512xf32>
    %exp3A_54 = math.exp %sub3A_53 : vector<16x512xf32>
    %sub3A_55 = arith.subf %slice3A_20, %max3A_42 : vector<16x512xf32>
    %exp3A_56 = math.exp %sub3A_55 : vector<16x512xf32>
    %sub3A_57 = arith.subf %slice3A_21, %max3A_42 : vector<16x512xf32>
    %exp3A_58 = math.exp %sub3A_57 : vector<16x512xf32>
    %sub3A_59 = arith.subf %slice3A_22, %max3A_42 : vector<16x512xf32>
    %exp3A_60 = math.exp %sub3A_59 : vector<16x512xf32>
    %sub3A_61 = arith.subf %slice3A_23, %max3A_42 : vector<16x512xf32>
    %exp3A_62 = math.exp %sub3A_61 : vector<16x512xf32>
    %sub3A_63 = arith.subf %slice3A_24, %max3A_42 : vector<16x512xf32>
    %exp3A_64 = math.exp %sub3A_63 : vector<16x512xf32>
    %sub3A_65 = arith.subf %slice3A_25, %max3A_42 : vector<16x512xf32>
    %exp3A_66 = math.exp %sub3A_65 : vector<16x512xf32>
    %sub3A_67 = arith.subf %slice3A_26, %max3A_42 : vector<16x512xf32>
    %exp3A_68 = math.exp %sub3A_67 : vector<16x512xf32>
    %sub3A_69 = arith.subf %slice3A_27, %max3A_42 : vector<16x512xf32>
    %exp3A_70 = math.exp %sub3A_69 : vector<16x512xf32>
    %sub3A_71 = arith.subf %slice3A_28, %max3A_42 : vector<16x512xf32>
    %exp3A_72 = math.exp %sub3A_71 : vector<16x512xf32>
    %add3A = arith.addf %exp3A, %exp3A_44 : vector<16x512xf32>
    %add3A_73 = arith.addf %add3A, %exp3A_46 : vector<16x512xf32>
    %add3A_74 = arith.addf %add3A_73, %exp3A_48 : vector<16x512xf32>
    %add3A_75 = arith.addf %add3A_74, %exp3A_50 : vector<16x512xf32>
    %add3A_76 = arith.addf %add3A_75, %exp3A_52 : vector<16x512xf32>
    %add3A_77 = arith.addf %add3A_76, %exp3A_54 : vector<16x512xf32>
    %add3A_78 = arith.addf %add3A_77, %exp3A_56 : vector<16x512xf32>
    %add3A_79 = arith.addf %add3A_78, %exp3A_58 : vector<16x512xf32>
    %add3A_80 = arith.addf %add3A_79, %exp3A_60 : vector<16x512xf32>
    %add3A_81 = arith.addf %add3A_80, %exp3A_62 : vector<16x512xf32>
    %add3A_82 = arith.addf %add3A_81, %exp3A_64 : vector<16x512xf32>
    %add3A_83 = arith.addf %add3A_82, %exp3A_66 : vector<16x512xf32>
    %add3A_84 = arith.addf %add3A_83, %exp3A_68 : vector<16x512xf32>
    %add3A_85 = arith.addf %add3A_84, %exp3A_70 : vector<16x512xf32>
    %add3A_86 = arith.addf %add3A_85, %exp3A_72 : vector<16x512xf32>
    %sub3A_87 = arith.subf %max3A_42, %slice3A : vector<16x512xf32>
    %min3A = arith.constant 8.500000e+01 : f32
    %min3A_88 = vector.broadcast %min3A : f32 to vector<16x512xf32>
    %min3A_89 = arith.minimumf %sub3A_87, %min3A_88 : vector<16x512xf32>
    %exp3A_90 = math.exp %min3A_89 : vector<16x512xf32>
    %mul3A = arith.mulf %exp3A, %exp3A_90 : vector<16x512xf32>
    %sub3A_91 = arith.subf %max3A_42, %max3A : vector<16x512xf32>
    %min3A_92 = arith.constant 8.500000e+01 : f32
    %min3A_93 = vector.broadcast %min3A_92 : f32 to vector<16x512xf32>
    %min3A_94 = arith.minimumf %sub3A_91, %min3A_93 : vector<16x512xf32>
    %exp3A_95 = math.exp %min3A_94 : vector<16x512xf32>
    %mul3A_96 = arith.mulf %add3A, %exp3A_95 : vector<16x512xf32>
    %sub3A_97 = arith.subf %max3A_42, %max3A_29 : vector<16x512xf32>
    %min3A_98 = arith.constant 8.500000e+01 : f32
    %min3A_99 = vector.broadcast %min3A_98 : f32 to vector<16x512xf32>
    %min3A_100 = arith.minimumf %sub3A_97, %min3A_99 : vector<16x512xf32>
    %exp3A_101 = math.exp %min3A_100 : vector<16x512xf32>
    %mul3A_102 = arith.mulf %add3A_73, %exp3A_101 : vector<16x512xf32>
    %sub3A_103 = arith.subf %max3A_42, %max3A_30 : vector<16x512xf32>
    %min3A_104 = arith.constant 8.500000e+01 : f32
    %min3A_105 = vector.broadcast %min3A_104 : f32 to vector<16x512xf32>
    %min3A_106 = arith.minimumf %sub3A_103, %min3A_105 : vector<16x512xf32>
    %exp3A_107 = math.exp %min3A_106 : vector<16x512xf32>
    %mul3A_108 = arith.mulf %add3A_74, %exp3A_107 : vector<16x512xf32>
    %sub3A_109 = arith.subf %max3A_42, %max3A_31 : vector<16x512xf32>
    %min3A_110 = arith.constant 8.500000e+01 : f32
    %min3A_111 = vector.broadcast %min3A_110 : f32 to vector<16x512xf32>
    %min3A_112 = arith.minimumf %sub3A_109, %min3A_111 : vector<16x512xf32>
    %exp3A_113 = math.exp %min3A_112 : vector<16x512xf32>
    %mul3A_114 = arith.mulf %add3A_75, %exp3A_113 : vector<16x512xf32>
    %sub3A_115 = arith.subf %max3A_42, %max3A_32 : vector<16x512xf32>
    %min3A_116 = arith.constant 8.500000e+01 : f32
    %min3A_117 = vector.broadcast %min3A_116 : f32 to vector<16x512xf32>
    %min3A_118 = arith.minimumf %sub3A_115, %min3A_117 : vector<16x512xf32>
    %exp3A_119 = math.exp %min3A_118 : vector<16x512xf32>
    %mul3A_120 = arith.mulf %add3A_76, %exp3A_119 : vector<16x512xf32>
    %sub3A_121 = arith.subf %max3A_42, %max3A_33 : vector<16x512xf32>
    %min3A_122 = arith.constant 8.500000e+01 : f32
    %min3A_123 = vector.broadcast %min3A_122 : f32 to vector<16x512xf32>
    %min3A_124 = arith.minimumf %sub3A_121, %min3A_123 : vector<16x512xf32>
    %exp3A_125 = math.exp %min3A_124 : vector<16x512xf32>
    %mul3A_126 = arith.mulf %add3A_77, %exp3A_125 : vector<16x512xf32>
    %sub3A_127 = arith.subf %max3A_42, %max3A_34 : vector<16x512xf32>
    %min3A_128 = arith.constant 8.500000e+01 : f32
    %min3A_129 = vector.broadcast %min3A_128 : f32 to vector<16x512xf32>
    %min3A_130 = arith.minimumf %sub3A_127, %min3A_129 : vector<16x512xf32>
    %exp3A_131 = math.exp %min3A_130 : vector<16x512xf32>
    %mul3A_132 = arith.mulf %add3A_78, %exp3A_131 : vector<16x512xf32>
    %sub3A_133 = arith.subf %max3A_42, %max3A_35 : vector<16x512xf32>
    %min3A_134 = arith.constant 8.500000e+01 : f32
    %min3A_135 = vector.broadcast %min3A_134 : f32 to vector<16x512xf32>
    %min3A_136 = arith.minimumf %sub3A_133, %min3A_135 : vector<16x512xf32>
    %exp3A_137 = math.exp %min3A_136 : vector<16x512xf32>
    %mul3A_138 = arith.mulf %add3A_79, %exp3A_137 : vector<16x512xf32>
    %sub3A_139 = arith.subf %max3A_42, %max3A_36 : vector<16x512xf32>
    %min3A_140 = arith.constant 8.500000e+01 : f32
    %min3A_141 = vector.broadcast %min3A_140 : f32 to vector<16x512xf32>
    %min3A_142 = arith.minimumf %sub3A_139, %min3A_141 : vector<16x512xf32>
    %exp3A_143 = math.exp %min3A_142 : vector<16x512xf32>
    %mul3A_144 = arith.mulf %add3A_80, %exp3A_143 : vector<16x512xf32>
    %sub3A_145 = arith.subf %max3A_42, %max3A_37 : vector<16x512xf32>
    %min3A_146 = arith.constant 8.500000e+01 : f32
    %min3A_147 = vector.broadcast %min3A_146 : f32 to vector<16x512xf32>
    %min3A_148 = arith.minimumf %sub3A_145, %min3A_147 : vector<16x512xf32>
    %exp3A_149 = math.exp %min3A_148 : vector<16x512xf32>
    %mul3A_150 = arith.mulf %add3A_81, %exp3A_149 : vector<16x512xf32>
    %sub3A_151 = arith.subf %max3A_42, %max3A_38 : vector<16x512xf32>
    %min3A_152 = arith.constant 8.500000e+01 : f32
    %min3A_153 = vector.broadcast %min3A_152 : f32 to vector<16x512xf32>
    %min3A_154 = arith.minimumf %sub3A_151, %min3A_153 : vector<16x512xf32>
    %exp3A_155 = math.exp %min3A_154 : vector<16x512xf32>
    %mul3A_156 = arith.mulf %add3A_82, %exp3A_155 : vector<16x512xf32>
    %sub3A_157 = arith.subf %max3A_42, %max3A_39 : vector<16x512xf32>
    %min3A_158 = arith.constant 8.500000e+01 : f32
    %min3A_159 = vector.broadcast %min3A_158 : f32 to vector<16x512xf32>
    %min3A_160 = arith.minimumf %sub3A_157, %min3A_159 : vector<16x512xf32>
    %exp3A_161 = math.exp %min3A_160 : vector<16x512xf32>
    %mul3A_162 = arith.mulf %add3A_83, %exp3A_161 : vector<16x512xf32>
    %sub3A_163 = arith.subf %max3A_42, %max3A_40 : vector<16x512xf32>
    %min3A_164 = arith.constant 8.500000e+01 : f32
    %min3A_165 = vector.broadcast %min3A_164 : f32 to vector<16x512xf32>
    %min3A_166 = arith.minimumf %sub3A_163, %min3A_165 : vector<16x512xf32>
    %exp3A_167 = math.exp %min3A_166 : vector<16x512xf32>
    %mul3A_168 = arith.mulf %add3A_84, %exp3A_167 : vector<16x512xf32>
    %sub3A_169 = arith.subf %max3A_42, %max3A_41 : vector<16x512xf32>
    %min3A_170 = arith.constant 8.500000e+01 : f32
    %min3A_171 = vector.broadcast %min3A_170 : f32 to vector<16x512xf32>
    %min3A_172 = arith.minimumf %sub3A_169, %min3A_171 : vector<16x512xf32>
    %exp3A_173 = math.exp %min3A_172 : vector<16x512xf32>
    %mul3A_174 = arith.mulf %add3A_85, %exp3A_173 : vector<16x512xf32>
    %sub3A_175 = arith.subf %max3A_42, %max3A_42 : vector<16x512xf32>
    %min3A_176 = arith.constant 8.500000e+01 : f32
    %min3A_177 = vector.broadcast %min3A_176 : f32 to vector<16x512xf32>
    %min3A_178 = arith.minimumf %sub3A_175, %min3A_177 : vector<16x512xf32>
    %exp3A_179 = math.exp %min3A_178 : vector<16x512xf32>
    %mul3A_180 = arith.mulf %add3A_86, %exp3A_179 : vector<16x512xf32>
    %div3A = arith.constant 1.000000e+00 : f32
    %div3A_181 = vector.broadcast %div3A : f32 to vector<16x512xf32>
    %div3A_182 = arith.divf %div3A_181, %mul3A_180 : vector<16x512xf32>
    %mul3A_183 = arith.mulf %div3A_182, %mul3A_174 : vector<16x512xf32>
    %mul3A_184 = arith.mulf %mul3A_183, %mul3A_168 : vector<16x512xf32>
    %mul3A_185 = arith.mulf %mul3A_184, %mul3A_162 : vector<16x512xf32>
    %mul3A_186 = arith.mulf %mul3A_185, %mul3A_156 : vector<16x512xf32>
    %mul3A_187 = arith.mulf %mul3A_186, %mul3A_150 : vector<16x512xf32>
    %mul3A_188 = arith.mulf %mul3A_187, %mul3A_144 : vector<16x512xf32>
    %mul3A_189 = arith.mulf %mul3A_188, %mul3A_138 : vector<16x512xf32>
    %mul3A_190 = arith.mulf %mul3A_189, %mul3A_132 : vector<16x512xf32>
    %mul3A_191 = arith.mulf %mul3A_190, %mul3A_126 : vector<16x512xf32>
    %mul3A_192 = arith.mulf %mul3A_191, %mul3A_120 : vector<16x512xf32>
    %mul3A_193 = arith.mulf %mul3A_192, %mul3A_114 : vector<16x512xf32>
    %mul3A_194 = arith.mulf %mul3A_193, %mul3A_108 : vector<16x512xf32>
    %mul3A_195 = arith.mulf %mul3A_194, %mul3A_102 : vector<16x512xf32>
    %mul3A_196 = arith.mulf %mul3A_195, %mul3A_96 : vector<16x512xf32>
    %mul3A_197 = arith.mulf %mul3A_196, %mul3A : vector<16x512xf32>
    %mul3A_198 = arith.mulf %exp3A, %mul3A_197 : vector<16x512xf32>
    %mul3A_199 = arith.mulf %exp3A_44, %mul3A_196 : vector<16x512xf32>
    %mul3A_200 = arith.mulf %exp3A_46, %mul3A_195 : vector<16x512xf32>
    %mul3A_201 = arith.mulf %exp3A_48, %mul3A_194 : vector<16x512xf32>
    %mul3A_202 = arith.mulf %exp3A_50, %mul3A_193 : vector<16x512xf32>
    %mul3A_203 = arith.mulf %exp3A_52, %mul3A_192 : vector<16x512xf32>
    %mul3A_204 = arith.mulf %exp3A_54, %mul3A_191 : vector<16x512xf32>
    %mul3A_205 = arith.mulf %exp3A_56, %mul3A_190 : vector<16x512xf32>
    %mul3A_206 = arith.mulf %exp3A_58, %mul3A_189 : vector<16x512xf32>
    %mul3A_207 = arith.mulf %exp3A_60, %mul3A_188 : vector<16x512xf32>
    %mul3A_208 = arith.mulf %exp3A_62, %mul3A_187 : vector<16x512xf32>
    %mul3A_209 = arith.mulf %exp3A_64, %mul3A_186 : vector<16x512xf32>
    %mul3A_210 = arith.mulf %exp3A_66, %mul3A_185 : vector<16x512xf32>
    %mul3A_211 = arith.mulf %exp3A_68, %mul3A_184 : vector<16x512xf32>
    %mul3A_212 = arith.mulf %exp3A_70, %mul3A_183 : vector<16x512xf32>
    %mul3A_213 = arith.mulf %exp3A_72, %div3A_182 : vector<16x512xf32>
    %concatenate3A = tpu.concatenate %mul3A_198, %mul3A_199, %mul3A_200, %mul3A_201, %mul3A_202, %mul3A_203, %mul3A_204, %mul3A_205, %mul3A_206, %mul3A_207, %mul3A_208, %mul3A_209, %mul3A_210, %mul3A_211, %mul3A_212, %mul3A_213 in 0 : vector<16x512xf32>, vector<16x512xf32>, vector<16x512xf32>, vector<16x512xf32>, vector<16x512xf32>, vector<16x512xf32>, vector<16x512xf32>, vector<16x512xf32>, vector<16x512xf32>, vector<16x512xf32>, vector<16x512xf32>, vector<16x512xf32>, vector<16x512xf32>, vector<16x512xf32>, vector<16x512xf32>, vector<16x512xf32> -> vector<256x512xf32>
    %get3A_214 = arith.constant 0 : index
    %get3A_215 = arith.constant 0 : index
    %get3A_216 = vector.load %arg11[%get3A_214, %get3A_215] : memref<256x1024xf32, #tpu.memory_space<vmem>>, vector<256x1024xf32>
    %dot_general3A_217 = arith.constant dense<0.000000e+00> : vector<512x1024xf32>
    %dot_general3A_218 = tpu.matmul %concatenate3A, %get3A_216, %dot_general3A_217 {dimension_numbers = #tpu.dot_dimension_numbers<[0], [0], [1], [1], [0, 1, 1, 1], [], []>, transpose_lhs_hint = false} : vector<256x512xf32>, vector<256x1024xf32>, vector<512x1024xf32> -> vector<512x1024xf32>
    %swap3A = arith.constant 0 : index
    %swap3A_219 = arith.constant 0 : index
    %swap3A_220 = vector.load %arg8[%swap3A, %swap3A_219] : memref<512x1024xf32, #tpu.memory_space<vmem>>, vector<512x1024xf32>
    tpu.vector_store %arg8[%swap3A, %swap3A_219], %dot_general3A_218 {strides = array<i32>} : memref<512x1024xf32, #tpu.memory_space<vmem>>, vector<512x1024xf32>,
    return
  }
  func.func @transform_0(%arg0: i32, %arg1: memref<4096xi32, #tpu.memory_space<smem>>) -> (i32, i32) {
    %c0_i32 = arith.constant 0 : i32
    %c0_i32_0 = arith.constant 0 : i32
    return %arg0, %c0_i32 : i32, i32
  }
  func.func @transform_2(%arg0: i32, %arg1: memref<4096xi32, #tpu.memory_space<smem>>) -> (i32, i32) {
    %c0_i32 = arith.constant 0 : i32
    %c0_i32_0 = arith.constant 0 : i32
    %c0_i32_1 = arith.constant 0 : i32
    return %c0_i32, %c0_i32_0 : i32, i32
  }
  func.func @transform_3(%arg0: i32, %arg1: memref<4096xi32, #tpu.memory_space<smem>>) -> (i32, i32) {
    %c0_i32 = arith.constant 0 : i32
    %c0_i32_0 = arith.constant 0 : i32
    %c0_i32_1 = arith.constant 0 : i32
    return %c0_i32, %c0_i32_0 : i32, i32
  }
  func.func @transform_4(%arg0: i32, %arg1: memref<4096xi32, #tpu.memory_space<smem>>) -> (i32, i32) {
    %c0_i32 = arith.constant 0 : i32
    %c0_i32_0 = arith.constant 0 : i32
    %c0_i32_1 = arith.constant 0 : i32
    return %c0_i32, %c0_i32_0 : i32, i32
  }
  func.func @transform_5(%arg0: i32, %arg1: memref<4096xi32, #tpu.memory_space<smem>>) -> (i32, i32) {
    %c0_i32 = arith.constant 0 : i32
    %c0_i32_0 = arith.constant 0 : i32
    %c0_i32_1 = arith.constant 0 : i32
    return %c0_i32, %c0_i32_0 : i32, i32
  }
  func.func @transform_6(%arg0: i32, %arg1: memref<4096xi32, #tpu.memory_space<smem>>) -> (i32, i32) {
    %c0_i32 = arith.constant 0 : i32
    %c0_i32_0 = arith.constant 0 : i32
    return %arg0, %c0_i32 : i32, i32
  }
}

</mosaic_0001>

<sc_bundles>
// kernel: kernel.4.cloned.1.call-start
scs
__scs_entry_jumppad:
0x0: {  	(pc) =	sbr.rel $0x88, $3  }
0x1: {  	(tag) =	ssettag $0x0;
	lr =	simm.s32 $0x1  }
0x2: {  	[smem:$0x3F9D] =	sst lr;
	_ =	strace $0xD0000000  }
0x3: {  	_ = 	snop  }
0x4: {  	_ = 	snop  }
0x5: {  	_ = 	snop  }
0x6: {  	_ = 	snop  }
0x7: {  	_ = 	snop  }
__scs_overlays_trampoline_lowered:
0x8: {  	[smem:$0x3FAC] =	sst s0  }
0x9: {  	[smem:$0x3FAD] =	sst s1  }
0xa: {  	[smem:$0x3FAE] =	sst s2  }
0xb: {  	[smem:$0x3FAF] =	sst s3  }
0xc: {  	[smem:$0x3FB0] =	sst s4  }
0xd: {  	[smem:$0x3FB1] =	sst s5  }
0xe: {  	[smem:$0x3FB2] =	sst s6  }
0xf: {  	[smem:$0x3FB3] =	sst s7  }
0x10: {  	[smem:$0x3FB4] =	sst s8  }
0x11: {  	[smem:$0x3FB5] =	sst s9;
	s0 =	simm.s32 @!p0 $0x0  }
0x12: {  	s1 =	sld [smem:$0x3F9B];
	s0 =	simm.s32 @p0 $0x1  }
0x13: {  	[smem:$0x3FB6] =	sst s0;
	s0 =	simm.s32 @!p1 $0x0  }
0x14: {  	s2 =	sld [smem:$0x3F9A];
	s0 =	simm.s32 @p1 $0x1  }
0x15: {  	[smem:$0x3FB7] =	sst s0;
	s0 =	simm.s32 @!p2 $0x0  }
0x16: {  	s3 =	sld [smem:$0x3FDB];
	s0 =	simm.s32 @p2 $0x1  }
0x17: {  	s4 =	simm.s32 $0x1BF5;
	[smem:$0x3FB9] =	sst s0  }
0x18: {  	s0 =	sld [smem:$0x3F9C];
	_ =	swait.ge [sflag:s4], $0x0  }
0x19: {  	s7 =	sld [smem:$0x3F9D]  }
0x1a: {  	s8 =	sadd.s32 $0xFFFFE003, lr  }
0x1b: {  	s9 =	sadd.s32 $0xFFFFFEF7, lr;
	s5 =	simm.s32 $0xFFFFFFFF;
	p2 =	slt.u32 s8, $0xFFFFF086  }
0x1c: {  	p1 =	slt.u32 s9, $0xF7A;
	s5 =	simm.s32 @!p2 $0x0  }
0x1d: {  	s5 =	simm.s32 @p1 $0x1;
	p0 =	seq.s32 s7, s2  }
0x1e: {  	s7 =	smul.u32 @!p0 $0xF7A, s2;
	p2 =	seq.s32 @!p0 s5, $0x0  }
0x1f: {  	s9 =	smul.u32 $0xF7A, s1;
	s8 =	simm.s32 @!p0 $0x1BF5;
	p2 =	por !p2, p0  }
0x20: {  	[sflag:s8] =	ssyncset.s32 @!p0 $0xFFFFF086;
	s6 =	sadd.s32 @!p0 s3, s7;
	s7 =	simm.s32 @!p0 $0x108  }
0x21: {  	s3 =	sadd.s32 s3, s9;
	s6 =	sadd.s32 @!p0 $0x88, s6;
	s7 =	simm.s32 @p2 $0x1082  }
0x22: {  	[simem:s7], [sflag:s8] =	dma.local @!p0 [hbm:s6], $0xF7A  }
0x23: {  	s9 =	sor.u32 $0xD0000000, s2;
	s6 =	simm.s32 $0x108;
	_ =	swait.ge @!p0 [sflag:s8], $0x0  }
0x24: {  	s3 =	sadd.s32 $0x88, s3;
	s6 =	simm.s32 @!p1 $0x1082;
	[sflag:s4] =	ssyncset.s32 $0xFFFFF086  }
0x25: {  	[simem:s6], [sflag:s4] =	dma.local [hbm:s3], $0xF7A  }
0x26: {  	[smem:$0x3F9D] =	sst s1;
	(tag) =	ssettag s2;
	_ =	strace s9  }
0x27: {  	s1 =	sld [smem:$0x3FAD]  }
0x28: {  	s2 =	sld [smem:$0x3FAE]  }
0x29: {  	s4 =	sld [smem:$0x3FB0]  }
0x2a: {  	p0 =	seq.s32 s5, $0x0;
	s5 =	sld [smem:$0x3FB1]  }
0x2b: {  	s6 =	sld [smem:$0x3FB2]  }
0x2c: {  	s7 =	sld [smem:$0x3FB3]  }
0x2d: {  	s3 =	simm.s32 $0x108;
	s8 =	sld [smem:$0x3FB4]  }
0x2e: {  	s3 =	simm.s32 @!p0 $0x1082;
	s9 =	sld [smem:$0x3FB5]  }
0x2f: {  	lr =	sadd.s32 s0, s3;
	s0 =	sld [smem:$0x3FAC]  }
0x30: {  	s3 =	sld [smem:$0x3FAF]  }
0x31: {  	[smem:$0x3FB8] =	sst s10  }
0x32: {  	s10 =	sld [smem:$0x3FB6];
	_ =	sdelay $0x3  }
0x33: {  	p0 =	seq.s32 s10, $0x1;
	s10 =	sld [smem:$0x3FB8];
	_ =	sdelay $0x3  }
0x34: {  	[smem:$0x3FB8] =	sst s10  }
0x35: {  	s10 =	sld [smem:$0x3FB7];
	_ =	sdelay $0x3  }
0x36: {  	p1 =	seq.s32 s10, $0x1;
	s10 =	sld [smem:$0x3FB8];
	_ =	sdelay $0x3  }
0x37: {  	[smem:$0x3FB8] =	sst s10  }
0x38: {  	s10 =	sld [smem:$0x3FB9]  }
0x39: {  	_ = 	snop;
	(pc) =	sbr.ind lr, $3  }
0x3a: {  	_ = 	snop  }
0x3b: {  	_ = 	snop  }
0x3c: {  	p2 =	seq.s32 s10, $0x1;
	s10 =	sld [smem:$0x3FB8]  }
0x3d: {  	_ =	shalt  }
0x3e: {  	_ =	shalt  }
0x3f: {  	_ =	shalt  }
0x40: {  	_ =	shalt  }
0x41: {  	_ =	shalt  }
0x42: {  	_ =	shalt  }
0x43: {  	_ =	shalt  }
0x44: {  	_ =	shalt  }
0x45: {  	_ =	shalt  }
0x46: {  	_ =	shalt  }
0x47: {  	_ =	shalt  }
0x48: {  	_ =	shalt  }
0x49: {  	_ =	shalt  }
0x4a: {  	_ =	shalt  }
0x4b: {  	_ =	shalt  }
0x4c: {  	_ =	shalt  }
0x4d: {  	_ =	shalt  }
0x4e: {  	_ =	shalt  }
0x4f: {  	_ =	shalt  }
0x50: {  	_ =	shalt  }
0x51: {  	_ =	shalt  }
0x52: {  	_ =	shalt  }
0x53: {  	_ =	shalt  }
0x54: {  	_ =	shalt  }
0x55: {  	_ =	shalt  }
0x56: {  	_ =	shalt  }
0x57: {  	_ =	shalt  }
0x58: {  	_ =	shalt  }
0x59: {  	_ =	shalt  }
0x5a: {  	_ =	shalt  }
0x5b: {  	_ =	shalt  }
0x5c: {  	_ =	shalt  }
0x5d: {  	_ =	shalt  }
0x5e: {  	_ =	shalt  }
0x5f: {  	_ =	shalt  }
0x60: {  	_ =	shalt  }
0x61: {  	_ =	shalt  }
0x62: {  	_ =	shalt  }
0x63: {  	_ =	shalt  }
0x64: {  	_ =	shalt  }
0x65: {  	_ =	shalt  }
0x66: {  	_ =	shalt  }
0x67: {  	_ =	shalt  }
0x68: {  	_ =	shalt  }
0x69: {  	_ =	shalt  }
0x6a: {  	_ =	shalt  }
0x6b: {  	_ =	shalt  }
0x6c: {  	_ =	shalt  }
0x6d: {  	_ =	shalt  }
0x6e: {  	_ =	shalt  }
0x6f: {  	_ =	shalt  }
0x70: {  	_ =	shalt  }
0x71: {  	_ =	shalt  }
0x72: {  	_ =	shalt  }
0x73: {  	_ =	shalt  }
0x74: {  	_ =	shalt  }
0x75: {  	_ =	shalt  }
0x76: {  	_ =	shalt  }
0x77: {  	_ =	shalt  }
0x78: {  	_ =	shalt  }
0x79: {  	_ =	shalt  }
0x7a: {  	_ =	shalt  }
0x7b: {  	_ =	shalt  }
0x7c: {  	_ =	shalt  }
0x7d: {  	_ =	shalt  }
0x7e: {  	_ =	shalt  }
0x7f: {  	_ =	shalt  }
0x80: {  	_ =	shalt  }
0x81: {  	_ =	shalt  }
0x82: {  	_ =	shalt  }
0x83: {  	_ =	shalt  }
0x84: {  	_ =	shalt  }
0x85: {  	_ =	shalt  }
0x86: {  	_ =	shalt  }
0x87: {  	_ =	shalt  }
.Lfunc_end0:
.L_simem_size_0:
called_computation_lowered:
.L_overlay_start_0:
0x88: {  	s2 =	sld [smem:$0x3FD9]  }
0x89: {  	s3 =	sld [smem:$0x3FFE];
	_ =	sdelay $0x1  }
0x8a: {  	s1 =	srdreg.scid  }
0x8b: {  	s0 =	sand.u32 $0x1, s1  }
0x8c: {  	s17 =	sshll.u32 s0, $0xA;
	s2 =	sadd.s32 s3, s2  }
0x8d: {  	s2 =	sadd.s32 s2, s17  }
0x8e: {  	[smem:$0x3FC4] =	sst s2  }
0x8f: {  	_ = 	snop  }
0x90: {  	s2 =	sld [smem:$0x3FC6]  }
0x91: {  	s18 =	sld [smem:$0x3FD0];
	(tm) =	ssettm $0x1  }
0x92: {  	s4 =	sld [smem:$0x3FFB];
	_ =	sdelay $0x3  }
0x93: {  	_ =	strace s4  }
0x94: {  	s4 =	sld [smem:$0x3FFC];
	_ =	sdelay $0x3  }
0x95: {  	_ =	strace s4  }
0x96: {  	s4 =	sld [smem:$0x3FFD];
	_ =	sdelay $0x3  }
0x97: {  	_ =	strace s4  }
0x98: {  	_ =	strace $0x8FFFFFFF  }
0x99: {  	s19 =	sld [smem:$0x3FDB];
	_ =	sdelay $0x1  }
0x9a: {  	s5 =	simm.s32 $_scs_section_size  }
0x9b: {  	s6 =	simm.s32 $_size__tile_overlayer_lowered;
	s7 =	simm.s32 $_tile_overlayer_lowered  }
0x9c: {  	s22 =	simm.s32 $0x1BFF;
	s21 =	sshll.u32 s7, $0x1;
	s4 =	sadd.s32 s5, s19  }
0x9d: {  	s8 =	simm.s32 $0x0;
	s20 =	sshll.u32 s6, $0x1;
	s6 =	sadd.s32 s21, s4  }
0x9e: {  	[timem:s8], [sflag:s22] =	dma.local [hbm:s6], s20  }
0x9f: {  	_ =	swait.ge [sflag:s22], s20  }
0xa0: {  	s5 =	ssub.s32 $0x0, s20;
	[sflag:s22] =	ssyncset.done $0x0  }
0xa1: {  	[sflag:s22] =	ssyncadd.s32 s5;
	_ =	sdelay $0x1  }
0xa2: {  	s23 =	simm.s32 $0x1B8B  }
0xa3: {  	_ =	swait.ge [sflag:s23], $0x1  }
0xa4: {  	[sflag:s23] =	ssyncset.done $0x0  }
0xa5: {  	s25 =	simm.s32 $0x1B8E;
	s24 =	sld [smem:$0x3FFE];
	[sflag:s23] =	ssyncadd.s32 $0xFFFFFFFF  }
0xa6: {  	s26 =	simm.s32 $execute0_lowered;
	[smem:$0x3FD2] =	sst s25  }
0xa7: {  	s6 =	sshll.u32 s26, $0x1;
	_ =	strace $0x80000046;
	[dreg:$0x1] =	wrdreg $0xFFFFFFFF  }
0xa8: {  	s28 =	simm.s32 $_size_execute0_lowered;
	s4 =	sadd.s32 s4, s6;
	[dreg:$0x0] =	wrdreg $0x0  }
0xa9: {  	s6 =	sshll.u32 s28, $0x1;
	[dreg:$0x2] =	wrdreg s4  }
0xaa: {  	[dreg:$0x3] =	wrdreg s6  }
0xab: {  	[dreg:$0x4] =	wrdreg $0xC0  }
0xac: {  	_ =	task [dreg:s8], $0x5FFFF  }
0xad: {  	[dreg:$0x1] =	wrdreg $0xFFFFFFFF  }
0xae: {  	[dreg:$0x0] =	wrdreg $0x60  }
0xaf: {  	[dreg:$0x2] =	wrdreg s24  }
0xb0: {  	[dreg:$0x3] =	wrdreg s2  }
0xb1: {  	[dreg:$0x4] =	wrdreg s18  }
0xb2: {  	[dreg:$0x5] =	wrdreg $0x9  }
0xb3: {  	_ =	task.clear_ibuf [dreg:s8], $0x6FFFF;
	_ =	strace $0x90000046  }
0xb4: {  	s29 =	simm.s32 $0x9;
	_ =	strace $0x80000048  }
0xb5: {  	_ =	swait.ge [sflag:s29], $0x1  }
0xb6: {  	[sflag:s29] =	ssyncadd.s32 $0xFFFFFFFF  }
0xb7: {  	_ =	strace $0x90000048  }
0xb8: {  	_ =	sfence  }
0xb9: {  	s30 =	sld [smem:$0x0];
	_ =	sdelay $0x2  }
0xba: {  	s31 =	sshll.u32 s1, $0xD;
	s1 =	sshrl.u32 s1, $0x2  }
0xbb: {  	s3 =	sand.u32 $0x4000, s31;
	s1 =	sadd.s32 s1, s30  }
0xbc: {  	s0 =	sor.u32 s3, s0;
	s1 =	sshll.u32 s1, $0x11  }
0xbd: {  	s0 =	sor.u32 s1, s0  }
0xbe: {  	s0 =	sadd.s32 $0x8F2B, s0  }
0xbf: {  	[sflag:s0] =	ssyncadd.remote.s32 $0x1  }
0xc0: {  	_ =	sfence.sel $0xFFFF  }
0xc1: {  	[dreg:$0x0] =	wrdreg $0xFFFFFFFF;
	(pc) =	sbr.abs _section_cstart, $3  }
0xc2: {  	[dreg:$0x1] =	wrdreg $0xFFFFFFFF  }
0xc3: {  	_ =	task.clear_ibuf [dreg:s8], $0x2FFFF;
	_ =	strace $0x9FFFFFFF  }
0xc4: {  	(tm) =	ssettm $0x7FFFFFFF  }
0xc5: {  	_ =	shalt  }
tec
execute0_lowered:
.L_overlay_start_1:
0x0: {  	(tag) =	ssettag $0x1  }
0x1: {  	s0 =	rddreg [dreg:$0x0];
	s1 =	srdreg.scid  }
0x2: {  	s2 =	rddreg [dreg:$0x1];
	s4 =	stileid.u32;
	s29 =	simm.s32 $0x4  }
0x3: {  	s12 =	simm.s32 $0x9000;
	s30 =	simm.s32 $0x2;
	s28 =	simm.s32 $0x2000  }
0x4: {  	s31 =	simm.s32 $0x2800;
	s23 =	simm.s32 $0x9800;
	s24 =	simm.s32 $0xA000  }
0x5: {  	s9 =	simm.s32 $0xA800;
	s10 =	simm.s32 $0xB000;
	s13 =	simm.s32 $0xC000  }
0x6: {  	s14 =	simm.s32 $0xC800;
	s15 =	simm.s32 $0xD000;
	s16 =	simm.s32 $0xD800  }
0x7: {  	s17 =	simm.s32 $0xE000;
	s18 =	simm.s32 $0xE800;
	s19 =	simm.s32 $0xF000  }
0x8: {  	s20 =	simm.s32 $0xF800;
	s21 =	simm.s32 $0x10000;
	s1 =	sand.u32 $0x1, s1  }
0x9: {  	[dreg:$0x4] =	wrdreg s2;
	s4 =	sshll.u32 s4, $0x7;
	s3 =	sshll.u32 s1, $0xB  }
0xa: {  	s22 =	simm.s32 $0x10800;
	s2 =	rddreg [dreg:$0x2];
	s3 =	sor.u32 s4, s3  }
0xb: {  	s1 =	ssub.s32 $0x2, s1;
	s4 =	simm.s32 $0x0;
	s5 =	sshll.u32 s3, $0x7  }
0xc: {  	s25 =	sshrl.u32 s1, $0x1;
	[smem:$0x7FF] =	sst s4;
	s0 =	sadd.s32 s5, s0  }
0xd: {  	s1 =	ssub.s32 s1, s25;
	_ =	strace $0x80000047;
	s6 =	sadd.s32 $0xA00, s0  }
0xe: {  	s5 =	sadd.s32 $0x100, s2;
	s26 =	sadd.s32 $0x1A00, s0;
	[dreg:$0x5] =	wrdreg s6  }
0xf: {  	v2 =	vlaneseq.u32;
	s8 =	smax.u32 s1, $0x1;
	s7 =	sadd.s32 $0x2A00, s0;
	[dreg:$0x6] =	wrdreg s26  }
0x10: {  	vm0 =	vmmov $0xffff;
	v1 =	vshrl.u32 v2, $0x3;
	s1 =	simm.s32 $0xB800;
	s0 =	sadd.s32 $0x3A00, s0;
	[dreg:$0x7] =	wrdreg s7  }
0x11: {  	v0 =	vand.u32 $0x7, v2;
	v2 =	vor.u32 $0x8, v2;
	v1 =	vmul.u32 $0x8, v1;
	s6 =	sadd.s32 $0x200, s2;
	s7 =	sadd.s32 $0x300, s2;
	[dreg:$0x8] =	wrdreg s0  }
.LBB2_1:
0x12: {  	s25 =	rddreg [dreg:$0x4];
	s0 =	simm.s32 $0x1  }
0x13: {  	[tilespmem:s4], [sflag:$0x1] =	stream.linear.gather [hbm4b:s25+s4], $0x1000, $0x38;
	[tilespmem:$0x11000] =	vst v63  }
0x14: {  	_ =	swait.ge [sflag:s0], $0x1000  }
0x15: {  	[sflag:s0] =	ssyncset.done $0x0  }
0x16: {  	s11 =	simm.s32 $0x1000;
	s25 =	rddreg [dreg:$0x5];
	[sflag:s0] =	ssyncadd.s32 $0xFFFFF000  }
0x17: {  	[tilespmem:s11], [sflag:$0x2] =	stream.linear.gather [hbm4b:s25+s4], $0x8000, $0x38;
	[tilespmem:$0x11000] =	vst v63  }
0x18: {  	s26 =	rddreg [dreg:$0x6]  }
0x19: {  	[tilespmem:s12], [sflag:$0x3] =	stream.linear.gather [hbm4b:s26+s4], $0x8000, $0x38;
	[tilespmem:$0x11000] =	vst v63  }
0x1a: {  	_ =	swait.ge [sflag:s30], $0x8000  }
0x1b: {  	[sflag:s30] =	ssyncset.done $0x0  }
0x1c: {  	[sflag:s30] =	ssyncadd.s32 $0xFFFF8000  }
0x1d: {  	v3 =	vld [tilespmem:s3+$0x0];
	_ =	sdelay $0x4  }
0x1e: {  	v4 =	vshll.u32 v3, $0x3  }
0x1f: {  	v3 =	vand.u32 $0x7, v3;
	v4 =	vand.u32 $0xFFFFFFC0, v4  }
0x20: {  	v3 =	vor.u32 v3, v4  }
0x21: {  	v4 =	vperm.xlane v3, v0;
	_ =	sdelay $0x1  }
0x22: {  	v4 =	vadd.s32 v1, v4;
	_ =	sdelay $0x4  }
0x23: {  	[hbm4b:s2+s4] =	stream.indirect_vreg.scatter [tilespmem:s11], [sflag:$0x4], $0x80, v4, vm0, $0xb8;
	[tilespmem:$0x11000] =	vst v63  }
0x24: {  	s26 =	simm.s32 $0x1800;
	v3 =	vperm.xlane v3, v2  }
0x25: {  	[hbm4b:s5+s4] =	stream.indirect_vreg.scatter [tilespmem:s26], [sflag:$0x4], $0x80, v4, vm0, $0xb8;
	[tilespmem:$0x11000] =	vst v63  }
0x26: {  	v3 =	vadd.s32 v1, v3  }
0x27: {  	[hbm4b:s6+s4] =	stream.indirect_vreg.scatter [tilespmem:s28], [sflag:$0x4], $0x80, v4, vm0, $0xb8;
	[tilespmem:$0x11000] =	vst v63  }
0x28: {  	_ = 	snop  }
0x29: {  	[hbm4b:s7+s4] =	stream.indirect_vreg.scatter [tilespmem:s31], [sflag:$0x4], $0x80, v4, vm0, $0xb8;
	[tilespmem:$0x11000] =	vst v63  }
0x2a: {  	s25 =	simm.s32 $0x3000  }
0x2b: {  	[hbm4b:s2+s4] =	stream.indirect_vreg.scatter [tilespmem:s25], [sflag:$0x4], $0x80, v3, vm0, $0xb8;
	[tilespmem:$0x11000] =	vst v63  }
0x2c: {  	s25 =	simm.s32 $0x3800  }
0x2d: {  	[hbm4b:s5+s4] =	stream.indirect_vreg.scatter [tilespmem:s25], [sflag:$0x4], $0x80, v3, vm0, $0xb8;
	[tilespmem:$0x11000] =	vst v63  }
0x2e: {  	s25 =	simm.s32 $0x4000  }
0x2f: {  	[hbm4b:s6+s4] =	stream.indirect_vreg.scatter [tilespmem:s25], [sflag:$0x4], $0x80, v3, vm0, $0xb8;
	[tilespmem:$0x11000] =	vst v63  }
0x30: {  	s25 =	simm.s32 $0x4800  }
0x31: {  	[hbm4b:s7+s4] =	stream.indirect_vreg.scatter [tilespmem:s25], [sflag:$0x4], $0x80, v3, vm0, $0xb8;
	[tilespmem:$0x11000] =	vst v63  }
0x32: {  	v3 =	vld [tilespmem:s3+$0x10];
	_ =	sdelay $0x4  }
0x33: {  	v57 =	vshll.u32 v3, $0x3  }
0x34: {  	v3 =	vand.u32 $0x7, v3;
	v4 =	vand.u32 $0xFFFFFFC0, v57  }
0x35: {  	v3 =	vor.u32 v3, v4  }
0x36: {  	v4 =	vperm.xlane v3, v0;
	_ =	sdelay $0x1  }
0x37: {  	v4 =	vadd.s32 v1, v4;
	_ =	sdelay $0x3  }
0x38: {  	s25 =	simm.s32 $0x5000  }
0x39: {  	[hbm4b:s2+s4] =	stream.indirect_vreg.scatter [tilespmem:s25], [sflag:$0x4], $0x80, v4, vm0, $0xb8;
	[tilespmem:$0x11000] =	vst v63  }
0x3a: {  	v3 =	vperm.xlane v3, v2;
	s25 =	simm.s32 $0x5800  }
0x3b: {  	[hbm4b:s5+s4] =	stream.indirect_vreg.scatter [tilespmem:s25], [sflag:$0x4], $0x80, v4, vm0, $0xb8;
	[tilespmem:$0x11000] =	vst v63  }
0x3c: {  	v3 =	vadd.s32 v1, v3;
	s25 =	simm.s32 $0x6000  }
0x3d: {  	[hbm4b:s6+s4] =	stream.indirect_vreg.scatter [tilespmem:s25], [sflag:$0x4], $0x80, v4, vm0, $0xb8;
	[tilespmem:$0x11000] =	vst v63  }
0x3e: {  	s25 =	simm.s32 $0x6800  }
0x3f: {  	[hbm4b:s7+s4] =	stream.indirect_vreg.scatter [tilespmem:s25], [sflag:$0x4], $0x80, v4, vm0, $0xb8;
	[tilespmem:$0x11000] =	vst v63  }
0x40: {  	s25 =	simm.s32 $0x7000  }
0x41: {  	[hbm4b:s2+s4] =	stream.indirect_vreg.scatter [tilespmem:s25], [sflag:$0x4], $0x80, v3, vm0, $0xb8;
	[tilespmem:$0x11000] =	vst v63  }
0x42: {  	s25 =	simm.s32 $0x7800  }
0x43: {  	[hbm4b:s5+s4] =	stream.indirect_vreg.scatter [tilespmem:s25], [sflag:$0x4], $0x80, v3, vm0, $0xb8;
	[tilespmem:$0x11000] =	vst v63  }
0x44: {  	s25 =	simm.s32 $0x8000  }
0x45: {  	[hbm4b:s6+s4] =	stream.indirect_vreg.scatter [tilespmem:s25], [sflag:$0x4], $0x80, v3, vm0, $0xb8;
	[tilespmem:$0x11000] =	vst v63  }
0x46: {  	s25 =	simm.s32 $0x8800  }
0x47: {  	[hbm4b:s7+s4] =	stream.indirect_vreg.scatter [tilespmem:s25], [sflag:$0x4], $0x80, v3, vm0, $0xb8;
	[tilespmem:$0x11000] =	vst v63  }
0x48: {  	_ =	swait.ge [sflag:s29], $0x8000  }
0x49: {  	[sflag:s29] =	ssyncset.done $0x0  }
0x4a: {  	s0 =	rddreg [dreg:$0x7];
	[sflag:s29] =	ssyncadd.s32 $0xFFFF8000  }
0x4b: {  	[tilespmem:s11], [sflag:$0x2] =	stream.linear.gather [hbm4b:s0+s4], $0x8000, $0x38;
	[tilespmem:$0x11000] =	vst v63  }
0x4c: {  	s0 =	simm.s32 $0x3  }
0x4d: {  	_ =	swait.ge [sflag:s0], $0x8000  }
0x4e: {  	[sflag:s0] =	ssyncset.done $0x0  }
0x4f: {  	[sflag:s0] =	ssyncadd.s32 $0xFFFF8000  }
0x50: {  	v3 =	vld [tilespmem:s3+$0x20];
	_ =	sdelay $0x4  }
0x51: {  	v58 =	vshll.u32 v3, $0x3  }
0x52: {  	v3 =	vand.u32 $0x7, v3;
	v4 =	vand.u32 $0xFFFFFFC0, v58  }
0x53: {  	v3 =	vor.u32 v3, v4  }
0x54: {  	v4 =	vperm.xlane v3, v0;
	_ =	sdelay $0x1  }
0x55: {  	v4 =	vadd.s32 v1, v4;
	_ =	sdelay $0x4  }
0x56: {  	[hbm4b:s2+s4] =	stream.indirect_vreg.scatter [tilespmem:s12], [sflag:$0x4], $0x80, v4, vm0, $0xb8;
	[tilespmem:$0x11000] =	vst v63  }
0x57: {  	v3 =	vperm.xlane v3, v2  }
0x58: {  	[hbm4b:s5+s4] =	stream.indirect_vreg.scatter [tilespmem:s23], [sflag:$0x4], $0x80, v4, vm0, $0xb8;
	[tilespmem:$0x11000] =	vst v63  }
0x59: {  	v3 =	vadd.s32 v1, v3  }
0x5a: {  	[hbm4b:s6+s4] =	stream.indirect_vreg.scatter [tilespmem:s24], [sflag:$0x4], $0x80, v4, vm0, $0xb8;
	[tilespmem:$0x11000] =	vst v63  }
0x5b: {  	_ = 	snop  }
0x5c: {  	[hbm4b:s7+s4] =	stream.indirect_vreg.scatter [tilespmem:s9], [sflag:$0x4], $0x80, v4, vm0, $0xb8;
	[tilespmem:$0x11000] =	vst v63  }
0x5d: {  	_ = 	snop  }
0x5e: {  	[hbm4b:s2+s4] =	stream.indirect_vreg.scatter [tilespmem:s10], [sflag:$0x4], $0x80, v3, vm0, $0xb8;
	[tilespmem:$0x11000] =	vst v63  }
0x5f: {  	_ = 	snop  }
0x60: {  	[hbm4b:s5+s4] =	stream.indirect_vreg.scatter [tilespmem:s1], [sflag:$0x4], $0x80, v3, vm0, $0xb8;
	[tilespmem:$0x11000] =	vst v63  }
0x61: {  	_ = 	snop  }
0x62: {  	[hbm4b:s6+s4] =	stream.indirect_vreg.scatter [tilespmem:s13], [sflag:$0x4], $0x80, v3, vm0, $0xb8;
	[tilespmem:$0x11000] =	vst v63  }
0x63: {  	_ = 	snop  }
0x64: {  	[hbm4b:s7+s4] =	stream.indirect_vreg.scatter [tilespmem:s14], [sflag:$0x4], $0x80, v3, vm0, $0xb8;
	[tilespmem:$0x11000] =	vst v63  }
0x65: {  	v3 =	vld [tilespmem:s3+$0x30];
	_ =	sdelay $0x4  }
0x66: {  	v59 =	vshll.u32 v3, $0x3  }
0x67: {  	v3 =	vand.u32 $0x7, v3;
	v4 =	vand.u32 $0xFFFFFFC0, v59  }
0x68: {  	v3 =	vor.u32 v3, v4  }
0x69: {  	v4 =	vperm.xlane v3, v0;
	_ =	sdelay $0x1  }
0x6a: {  	v4 =	vadd.s32 v1, v4;
	_ =	sdelay $0x4  }
0x6b: {  	[hbm4b:s2+s4] =	stream.indirect_vreg.scatter [tilespmem:s15], [sflag:$0x4], $0x80, v4, vm0, $0xb8;
	[tilespmem:$0x11000] =	vst v63  }
0x6c: {  	v3 =	vperm.xlane v3, v2  }
0x6d: {  	[hbm4b:s5+s4] =	stream.indirect_vreg.scatter [tilespmem:s16], [sflag:$0x4], $0x80, v4, vm0, $0xb8;
	[tilespmem:$0x11000] =	vst v63  }
0x6e: {  	v3 =	vadd.s32 v1, v3  }
0x6f: {  	[hbm4b:s6+s4] =	stream.indirect_vreg.scatter [tilespmem:s17], [sflag:$0x4], $0x80, v4, vm0, $0xb8;
	[tilespmem:$0x11000] =	vst v63  }
0x70: {  	_ = 	snop  }
0x71: {  	[hbm4b:s7+s4] =	stream.indirect_vreg.scatter [tilespmem:s18], [sflag:$0x4], $0x80, v4, vm0, $0xb8;
	[tilespmem:$0x11000] =	vst v63  }
0x72: {  	_ = 	snop  }
0x73: {  	[hbm4b:s2+s4] =	stream.indirect_vreg.scatter [tilespmem:s19], [sflag:$0x4], $0x80, v3, vm0, $0xb8;
	[tilespmem:$0x11000] =	vst v63  }
0x74: {  	_ = 	snop  }
0x75: {  	[hbm4b:s5+s4] =	stream.indirect_vreg.scatter [tilespmem:s20], [sflag:$0x4], $0x80, v3, vm0, $0xb8;
	[tilespmem:$0x11000] =	vst v63  }
0x76: {  	_ = 	snop  }
0x77: {  	[hbm4b:s6+s4] =	stream.indirect_vreg.scatter [tilespmem:s21], [sflag:$0x4], $0x80, v3, vm0, $0xb8;
	[tilespmem:$0x11000] =	vst v63  }
0x78: {  	_ = 	snop  }
0x79: {  	[hbm4b:s7+s4] =	stream.indirect_vreg.scatter [tilespmem:s22], [sflag:$0x4], $0x80, v3, vm0, $0xb8;
	[tilespmem:$0x11000] =	vst v63  }
0x7a: {  	_ =	swait.ge [sflag:s29], $0x8000  }
0x7b: {  	[sflag:s29] =	ssyncset.done $0x0  }
0x7c: {  	s25 =	rddreg [dreg:$0x8];
	[sflag:s29] =	ssyncadd.s32 $0xFFFF8000  }
0x7d: {  	[tilespmem:s12], [sflag:$0x3] =	stream.linear.gather [hbm4b:s25+s4], $0x8000, $0x38;
	[tilespmem:$0x11000] =	vst v63  }
0x7e: {  	_ =	swait.ge [sflag:s30], $0x8000  }
0x7f: {  	[sflag:s30] =	ssyncset.done $0x0  }
0x80: {  	[sflag:s30] =	ssyncadd.s32 $0xFFFF8000  }
0x81: {  	v3 =	vld [tilespmem:s3+$0x40];
	_ =	sdelay $0x4  }
0x82: {  	v60 =	vshll.u32 v3, $0x3  }
0x83: {  	v3 =	vand.u32 $0x7, v3;
	v4 =	vand.u32 $0xFFFFFFC0, v60  }
0x84: {  	v3 =	vor.u32 v3, v4  }
0x85: {  	v4 =	vperm.xlane v3, v0;
	_ =	sdelay $0x1  }
0x86: {  	v4 =	vadd.s32 v1, v4;
	_ =	sdelay $0x4  }
0x87: {  	[hbm4b:s2+s4] =	stream.indirect_vreg.scatter [tilespmem:s11], [sflag:$0x4], $0x80, v4, vm0, $0xb8;
	[tilespmem:$0x11000] =	vst v63  }
0x88: {  	v3 =	vperm.xlane v3, v2  }
0x89: {  	[hbm4b:s5+s4] =	stream.indirect_vreg.scatter [tilespmem:s26], [sflag:$0x4], $0x80, v4, vm0, $0xb8;
	[tilespmem:$0x11000] =	vst v63  }
0x8a: {  	v3 =	vadd.s32 v1, v3  }
0x8b: {  	[hbm4b:s6+s4] =	stream.indirect_vreg.scatter [tilespmem:s28], [sflag:$0x4], $0x80, v4, vm0, $0xb8;
	[tilespmem:$0x11000] =	vst v63  }
0x8c: {  	_ = 	snop  }
0x8d: {  	[hbm4b:s7+s4] =	stream.indirect_vreg.scatter [tilespmem:s31], [sflag:$0x4], $0x80, v4, vm0, $0xb8;
	[tilespmem:$0x11000] =	vst v63  }
0x8e: {  	s25 =	simm.s32 $0x3000  }
0x8f: {  	[hbm4b:s2+s4] =	stream.indirect_vreg.scatter [tilespmem:s25], [sflag:$0x4], $0x80, v3, vm0, $0xb8;
	[tilespmem:$0x11000] =	vst v63  }
0x90: {  	s26 =	simm.s32 $0x3800  }
0x91: {  	[hbm4b:s5+s4] =	stream.indirect_vreg.scatter [tilespmem:s26], [sflag:$0x4], $0x80, v3, vm0, $0xb8;
	[tilespmem:$0x11000] =	vst v63  }
0x92: {  	s25 =	simm.s32 $0x4000  }
0x93: {  	[hbm4b:s6+s4] =	stream.indirect_vreg.scatter [tilespmem:s25], [sflag:$0x4], $0x80, v3, vm0, $0xb8;
	[tilespmem:$0x11000] =	vst v63  }
0x94: {  	s26 =	simm.s32 $0x4800  }
0x95: {  	[hbm4b:s7+s4] =	stream.indirect_vreg.scatter [tilespmem:s26], [sflag:$0x4], $0x80, v3, vm0, $0xb8;
	[tilespmem:$0x11000] =	vst v63  }
0x96: {  	v3 =	vld [tilespmem:s3+$0x50];
	_ =	sdelay $0x4  }
0x97: {  	v61 =	vshll.u32 v3, $0x3  }
0x98: {  	v3 =	vand.u32 $0x7, v3;
	v4 =	vand.u32 $0xFFFFFFC0, v61  }
0x99: {  	v3 =	vor.u32 v3, v4  }
0x9a: {  	v4 =	vperm.xlane v3, v0;
	_ =	sdelay $0x1  }
0x9b: {  	v4 =	vadd.s32 v1, v4;
	_ =	sdelay $0x3  }
0x9c: {  	s25 =	simm.s32 $0x5000  }
0x9d: {  	[hbm4b:s2+s4] =	stream.indirect_vreg.scatter [tilespmem:s25], [sflag:$0x4], $0x80, v4, vm0, $0xb8;
	[tilespmem:$0x11000] =	vst v63  }
0x9e: {  	s26 =	simm.s32 $0x5800;
	v3 =	vperm.xlane v3, v2  }
0x9f: {  	[hbm4b:s5+s4] =	stream.indirect_vreg.scatter [tilespmem:s26], [sflag:$0x4], $0x80, v4, vm0, $0xb8;
	[tilespmem:$0x11000] =	vst v63  }
0xa0: {  	v3 =	vadd.s32 v1, v3;
	s25 =	simm.s32 $0x6000  }
0xa1: {  	[hbm4b:s6+s4] =	stream.indirect_vreg.scatter [tilespmem:s25], [sflag:$0x4], $0x80, v4, vm0, $0xb8;
	[tilespmem:$0x11000] =	vst v63  }
0xa2: {  	s26 =	simm.s32 $0x6800  }
0xa3: {  	[hbm4b:s7+s4] =	stream.indirect_vreg.scatter [tilespmem:s26], [sflag:$0x4], $0x80, v4, vm0, $0xb8;
	[tilespmem:$0x11000] =	vst v63  }
0xa4: {  	s25 =	simm.s32 $0x7000  }
0xa5: {  	[hbm4b:s2+s4] =	stream.indirect_vreg.scatter [tilespmem:s25], [sflag:$0x4], $0x80, v3, vm0, $0xb8;
	[tilespmem:$0x11000] =	vst v63  }
0xa6: {  	s26 =	simm.s32 $0x7800  }
0xa7: {  	[hbm4b:s5+s4] =	stream.indirect_vreg.scatter [tilespmem:s26], [sflag:$0x4], $0x80, v3, vm0, $0xb8;
	[tilespmem:$0x11000] =	vst v63  }
0xa8: {  	s25 =	simm.s32 $0x8000  }
0xa9: {  	[hbm4b:s6+s4] =	stream.indirect_vreg.scatter [tilespmem:s25], [sflag:$0x4], $0x80, v3, vm0, $0xb8;
	[tilespmem:$0x11000] =	vst v63  }
0xaa: {  	s26 =	simm.s32 $0x8800  }
0xab: {  	[hbm4b:s7+s4] =	stream.indirect_vreg.scatter [tilespmem:s26], [sflag:$0x4], $0x80, v3, vm0, $0xb8;
	[tilespmem:$0x11000] =	vst v63  }
0xac: {  	_ =	swait.ge [sflag:s29], $0x8000  }
0xad: {  	[sflag:s29] =	ssyncset.done $0x0  }
0xae: {  	[sflag:s29] =	ssyncadd.s32 $0xFFFF8000  }
0xaf: {  	_ =	swait.ge [sflag:s0], $0x8000  }
0xb0: {  	[sflag:s0] =	ssyncset.done $0x0  }
0xb1: {  	[sflag:s0] =	ssyncadd.s32 $0xFFFF8000  }
0xb2: {  	v3 =	vld [tilespmem:s3+$0x60];
	_ =	sdelay $0x4  }
0xb3: {  	v62 =	vshll.u32 v3, $0x3  }
0xb4: {  	v3 =	vand.u32 $0x7, v3;
	v4 =	vand.u32 $0xFFFFFFC0, v62  }
0xb5: {  	v3 =	vor.u32 v3, v4  }
0xb6: {  	v4 =	vperm.xlane v3, v0;
	_ =	sdelay $0x1  }
0xb7: {  	v4 =	vadd.s32 v1, v4;
	_ =	sdelay $0x4  }
0xb8: {  	[hbm4b:s2+s4] =	stream.indirect_vreg.scatter [tilespmem:s12], [sflag:$0x4], $0x80, v4, vm0, $0xb8;
	[tilespmem:$0x11000] =	vst v63  }
0xb9: {  	v3 =	vperm.xlane v3, v2  }
0xba: {  	[hbm4b:s5+s4] =	stream.indirect_vreg.scatter [tilespmem:s23], [sflag:$0x4], $0x80, v4, vm0, $0xb8;
	[tilespmem:$0x11000] =	vst v63  }
0xbb: {  	v3 =	vadd.s32 v1, v3  }
0xbc: {  	[hbm4b:s6+s4] =	stream.indirect_vreg.scatter [tilespmem:s24], [sflag:$0x4], $0x80, v4, vm0, $0xb8;
	[tilespmem:$0x11000] =	vst v63  }
0xbd: {  	_ = 	snop  }
0xbe: {  	[hbm4b:s7+s4] =	stream.indirect_vreg.scatter [tilespmem:s9], [sflag:$0x4], $0x80, v4, vm0, $0xb8;
	[tilespmem:$0x11000] =	vst v63  }
0xbf: {  	_ = 	snop  }
0xc0: {  	[hbm4b:s2+s4] =	stream.indirect_vreg.scatter [tilespmem:s10], [sflag:$0x4], $0x80, v3, vm0, $0xb8;
	[tilespmem:$0x11000] =	vst v63  }
0xc1: {  	_ = 	snop  }
0xc2: {  	[hbm4b:s5+s4] =	stream.indirect_vreg.scatter [tilespmem:s1], [sflag:$0x4], $0x80, v3, vm0, $0xb8;
	[tilespmem:$0x11000] =	vst v63  }
0xc3: {  	_ = 	snop  }
0xc4: {  	[hbm4b:s6+s4] =	stream.indirect_vreg.scatter [tilespmem:s13], [sflag:$0x4], $0x80, v3, vm0, $0xb8;
	[tilespmem:$0x11000] =	vst v63  }
0xc5: {  	_ = 	snop  }
0xc6: {  	[hbm4b:s7+s4] =	stream.indirect_vreg.scatter [tilespmem:s14], [sflag:$0x4], $0x80, v3, vm0, $0xb8;
	[tilespmem:$0x11000] =	vst v63  }
0xc7: {  	v3 =	vld [tilespmem:s3+$0x70];
	_ =	sdelay $0x4  }
0xc8: {  	v63 =	vshll.u32 v3, $0x3  }
0xc9: {  	v3 =	vand.u32 $0x7, v3;
	v4 =	vand.u32 $0xFFFFFFC0, v63  }
0xca: {  	v3 =	vor.u32 v3, v4  }
0xcb: {  	v4 =	vperm.xlane v3, v0;
	_ =	sdelay $0x1  }
0xcc: {  	v4 =	vadd.s32 v1, v4;
	_ =	sdelay $0x4  }
0xcd: {  	[hbm4b:s2+s4] =	stream.indirect_vreg.scatter [tilespmem:s15], [sflag:$0x4], $0x80, v4, vm0, $0xb8;
	[tilespmem:$0x11000] =	vst v63  }
0xce: {  	v3 =	vperm.xlane v3, v2  }
0xcf: {  	[hbm4b:s5+s4] =	stream.indirect_vreg.scatter [tilespmem:s16], [sflag:$0x4], $0x80, v4, vm0, $0xb8;
	[tilespmem:$0x11000] =	vst v63  }
0xd0: {  	v3 =	vadd.s32 v1, v3  }
0xd1: {  	[hbm4b:s6+s4] =	stream.indirect_vreg.scatter [tilespmem:s17], [sflag:$0x4], $0x80, v4, vm0, $0xb8;
	[tilespmem:$0x11000] =	vst v63  }
0xd2: {  	_ = 	snop  }
0xd3: {  	[hbm4b:s7+s4] =	stream.indirect_vreg.scatter [tilespmem:s18], [sflag:$0x4], $0x80, v4, vm0, $0xb8;
	[tilespmem:$0x11000] =	vst v63  }
0xd4: {  	_ = 	snop  }
0xd5: {  	[hbm4b:s2+s4] =	stream.indirect_vreg.scatter [tilespmem:s19], [sflag:$0x4], $0x80, v3, vm0, $0xb8;
	[tilespmem:$0x11000] =	vst v63  }
0xd6: {  	_ = 	snop  }
0xd7: {  	[hbm4b:s5+s4] =	stream.indirect_vreg.scatter [tilespmem:s20], [sflag:$0x4], $0x80, v3, vm0, $0xb8;
	[tilespmem:$0x11000] =	vst v63  }
0xd8: {  	p0 =	sne.s32 s8, $0x1  }
0xd9: {  	[hbm4b:s6+s4] =	stream.indirect_vreg.scatter [tilespmem:s21], [sflag:$0x4], $0x80, v3, vm0, $0xb8;
	[tilespmem:$0x11000] =	vst v63  }
.Ltmp0:
0xda: {  	_ = 	snop;
	(pc) =	sbr.rel @p0 .LBB2_1-.Ltmp0, $4  }
0xdb: {  	[hbm4b:s7+s4] =	stream.indirect_vreg.scatter [tilespmem:s22], [sflag:$0x4], $0x80, v3, vm0, $0xb8;
	[tilespmem:$0x11000] =	vst v63  }
0xdc: {  	_ =	swait.ge [sflag:s29], $0x8000  }
0xdd: {  	[sflag:s29] =	ssyncset.done $0x0  }
0xde: {  	s8 =	sadd.s32 $0xFFFFFFFF, s8;
	[sflag:s29] =	ssyncadd.s32 $0xFFFF8000  }
0xdf: {  	_ =	sfence.sel $0x180000  }
0xe0: {  	[bflag:$0x0] =	sbarrier.arrive $0xFFFF  }
0xe1: {  	_ =	strace $0x90000047  }
0xe2: {  	s0 =	stileid.u32;
	[bflag:$0x2] =	sbarrier.arrive $0xFFFF  }
0xe3: {  	p0 =	sne.s32 s0, $0x0;
	s0 =	rddreg [dreg:$0x3]  }
0xe4: {  	s0 =	sadd.s32 @!p0 $0x100000, s0  }
0xe5: {  	[sflag:s0] =	ssyncadd.tile.s32 @!p0 $0x1;
	_ =	shalt  }
.Lfunc_end2:
_tile_overlayer_lowered:
.L_overlay_start_2:
0xe6: {  	(tag) =	ssettag $0x2  }
0xe7: {  	s0 =	rddreg [dreg:$0x0];
	s2 =	stileid.u32  }
0xe8: {  	s1 =	rddreg [dreg:$0x1];
	p0 =	sne.s32 s2, $0x0  }
0xe9: {  	s3 =	rddreg [dreg:$0x2];
	[bflag:$0x3] =	sbarrier.arrive $0xFFFF;
	s2 =	simm.s32 @!p0 $0x1C04  }
0xea: {  	[timem:s3], [sflag:s2] =	dma.local @!p0 [hbm:s0], s1  }
0xeb: {  	s0 =	simm.s32 @!p0 $0x4  }
0xec: {  	_ =	swait.ge @!p0 [sflag:s0], s1  }
0xed: {  	s1 =	ssub.s32 @!p0 $0x0, s1;
	[sflag:s0] =	ssyncset.done @!p0 $0x0  }
0xee: {  	[sflag:s0] =	ssyncadd.s32 @!p0 s1  }
0xef: {  	[bflag:$0x3] =	sbarrier.arrive $0xFFFF  }
0xf0: {  	_ =	shalt  }

</sc_bundles>
